<compile_context>
chip_gen: v7x
topology: tpu7x:2x2x1
jax: 0.10.2.dev20260603
libtpu: 0.0.44.dev20260713+nightly
codegen_flags: <defaults>
</compile_context>

<pallas_src>
import functools

import jax
import jax.numpy as jnp
from jax import lax
from jax.experimental import pallas as pl
from jax.experimental.pallas import tpu as pltpu
from jax.experimental.pallas import tpu_sc as plsc

T = 2048
D = 768
H = 2048
E = 8
K = 2
N = T * K

BM = 128
NB = N // BM
NTILES = NB + E - 1

NC = 2
NS = 16
NW = NC * NS
TPW = T // NW
WL = 128


def _router_body(x_ref, wr_ref, p1_ref, p2_ref, w1b_ref, w2b_ref, off_ref):
    xb = x_ref[...]
    logits = lax.dot_general(xb, wr_ref[...], (((1,), (1,)), ((), ())),
                             preferred_element_type=jnp.float32)
    p = jax.nn.softmax(logits, axis=-1)
    col = lax.broadcasted_iota(jnp.int32, p.shape, 1)
    m1 = jnp.max(p, axis=-1)
    i1 = jnp.min(jnp.where(p == m1[:, None], col, E), axis=-1)
    pm = jnp.where(col == i1[:, None], -1.0, p)
    m2 = jnp.max(pm, axis=-1)
    i2 = jnp.min(jnp.where(pm == m2[:, None], col, E), axis=-1)
    den = m1 + m2
    w1 = m1 / den
    w2 = m2 / den

    oh = ((col == i1[:, None]) | (col == i2[:, None])).astype(jnp.float32)
    s = oh
    k = 1
    while k < T:
        s = s + jnp.concatenate([jnp.zeros((k, E), jnp.float32), s[:-k]], 0)
        k *= 2
    cex = s - oh
    total = s[T - 1]
    erow = lax.broadcasted_iota(jnp.int32, (E, E), 0)
    ecol = lax.broadcasted_iota(jnp.int32, (E, E), 1)
    off = jnp.sum(jnp.where(erow < ecol, total[:, None], 0.0), axis=0)

    def _sel(mat, idx):
        return jnp.sum(jnp.where(col == idx[:, None], mat, 0.0), axis=1)

    offb = jnp.broadcast_to(off[None, :], (T, E))
    pos1 = _sel(offb, i1) + _sel(cex, i1)
    pos2 = _sel(offb, i2) + _sel(cex, i2)

    p1_ref[...] = pos1.astype(jnp.int32)[:, None]
    p2_ref[...] = pos2.astype(jnp.int32)[:, None]
    w1b_ref[...] = jnp.broadcast_to(w1[:, None], (T, WL))
    w2b_ref[...] = jnp.broadcast_to(w2[:, None], (T, WL))
    off9 = jnp.concatenate([off, jnp.full((8,), float(N), jnp.float32)])
    off_ref[...] = off9.astype(jnp.int32)[:, None]


def _route(x2d, Wr):
    return pl.pallas_call(
        _router_body,
        grid=(1,),
        in_specs=[pl.BlockSpec((T, D), lambda i: (0, 0)),
                  pl.BlockSpec((E, D), lambda i: (0, 0))],
        out_specs=[pl.BlockSpec((T, 1), lambda i: (0, 0)),
                   pl.BlockSpec((T, 1), lambda i: (0, 0)),
                   pl.BlockSpec((T, WL), lambda i: (0, 0)),
                   pl.BlockSpec((T, WL), lambda i: (0, 0)),
                   pl.BlockSpec((16, 1), lambda i: (0, 0))],
        out_shape=[jax.ShapeDtypeStruct((T, 1), jnp.int32),
                   jax.ShapeDtypeStruct((T, 1), jnp.int32),
                   jax.ShapeDtypeStruct((T, WL), jnp.float32),
                   jax.ShapeDtypeStruct((T, WL), jnp.float32),
                   jax.ShapeDtypeStruct((16, 1), jnp.int32)],
    )(x2d, Wr)


@functools.cache
def _get_sc_dispatch():
    mesh = plsc.VectorSubcoreMesh(core_axis_name="c", subcore_axis_name="s")

    @functools.partial(
        pl.kernel,
        mesh=mesh,
        out_type=[jax.ShapeDtypeStruct((N, D), jnp.float32),
                  jax.ShapeDtypeStruct((N, WL), jnp.float32)],
        scratch_types=[pltpu.VMEM((TPW, D), jnp.float32),
                       pltpu.VMEM((TPW,), jnp.int32),
                       pltpu.VMEM((TPW,), jnp.int32),
                       pltpu.VMEM((TPW, WL), jnp.float32),
                       pltpu.VMEM((TPW, WL), jnp.float32),
                       pltpu.SemaphoreType.DMA,
                       pltpu.SemaphoreType.DMA,
                       pltpu.SemaphoreType.DMA,
                       pltpu.SemaphoreType.DMA],
    )
    def _sc_dispatch(x_hbm, p1_hbm, p2_hbm, w1b_hbm, w2b_hbm, xs_hbm, wr_hbm,
                     xv, i1v, i2v, wv1, wv2, s1, s2, s3, s4):
        wid = lax.axis_index("s") * NC + lax.axis_index("c")
        base = wid * TPW
        pltpu.sync_copy(x_hbm.at[pl.ds(base, TPW)], xv)
        pltpu.sync_copy(p1_hbm.at[pl.ds(base, TPW)], i1v)
        pltpu.sync_copy(p2_hbm.at[pl.ds(base, TPW)], i2v)
        pltpu.sync_copy(w1b_hbm.at[pl.ds(base, TPW)], wv1)
        pltpu.sync_copy(w2b_hbm.at[pl.ds(base, TPW)], wv2)
        c1 = pltpu.async_copy(xv, xs_hbm.at[i1v], s1)
        c2 = pltpu.async_copy(xv, xs_hbm.at[i2v], s2)
        c3 = pltpu.async_copy(wv1, wr_hbm.at[i1v], s3)
        c4 = pltpu.async_copy(wv2, wr_hbm.at[i2v], s4)
        c1.wait()
        c2.wait()
        c3.wait()
        c4.wait()

    return _sc_dispatch


@functools.cache
def _get_sc_combine():
    mesh = plsc.VectorSubcoreMesh(core_axis_name="c", subcore_axis_name="s")

    @functools.partial(
        pl.kernel,
        mesh=mesh,
        out_type=jax.ShapeDtypeStruct((T, D), jnp.float32),
        scratch_types=[pltpu.VMEM((TPW,), jnp.int32),
                       pltpu.VMEM((TPW,), jnp.int32),
                       pltpu.VMEM((TPW, D), jnp.float32),
                       pltpu.VMEM((TPW, D), jnp.float32),
                       pltpu.SemaphoreType.DMA,
                       pltpu.SemaphoreType.DMA],
    )
    def _sc_combine(ys_hbm, ia_hbm, ib_hbm, out_hbm, ia_v, ib_v, ra_v, rb_v,
                    sa, sb):
        wid = lax.axis_index("s") * NC + lax.axis_index("c")
        base = wid * TPW
        pltpu.sync_copy(ia_hbm.at[pl.ds(base, TPW)], ia_v)
        pltpu.sync_copy(ib_hbm.at[pl.ds(base, TPW)], ib_v)
        ca = pltpu.async_copy(ys_hbm.at[ia_v], ra_v, sa)
        cb = pltpu.async_copy(ys_hbm.at[ib_v], rb_v, sb)
        ca.wait()
        cb.wait()

        def _row(j, carry):
            def _col(c, carry2):
                sl = pl.ds(c * 16, 16)
                ra_v[j, sl] = ra_v[j, sl] + rb_v[j, sl]
                return carry2
            return lax.fori_loop(0, D // 16, _col, carry, unroll=8)

        lax.fori_loop(0, TPW, _row, 0)
        pltpu.sync_copy(ra_v, out_hbm.at[pl.ds(base, TPW)])

    return _sc_combine


def _expert_body(tb_ref, tg_ref, off_ref, ro_ref, rf_ref, rg_ref, nr_ref,
                 xs_ref, wg_any, wu_any, wd_any, wr_ref, ys_ref,
                 wgb, wub, wdb, sems):
    i = pl.program_id(0)
    g = tg_ref[i]
    b = tb_ref[i]
    r = ro_ref[i]
    slot = lax.rem(r, 2)

    def _issue(run, sl):
        ge = rg_ref[run]
        pltpu.make_async_copy(wg_any.at[ge], wgb.at[sl], sems.at[sl, 0]).start()
        pltpu.make_async_copy(wu_any.at[ge], wub.at[sl], sems.at[sl, 1]).start()
        pltpu.make_async_copy(wd_any.at[ge], wdb.at[sl], sems.at[sl, 2]).start()

    @pl.when(i == 0)
    def _():
        _issue(0, 0)

    @pl.when(rf_ref[i] == 1)
    def _():
        pltpu.make_async_copy(wg_any.at[g], wgb.at[slot],
                              sems.at[slot, 0]).wait()
        pltpu.make_async_copy(wu_any.at[g], wub.at[slot],
                              sems.at[slot, 1]).wait()
        pltpu.make_async_copy(wd_any.at[g], wdb.at[slot],
                              sems.at[slot, 2]).wait()

        @pl.when(r + 1 < nr_ref[0])
        def _():
            _issue(r + 1, 1 - slot)

    lo = off_ref[g]
    hi = off_ref[g + 1]
    xb = xs_ref[...]
    gate = lax.dot_general(xb, wgb[slot], (((1,), (1,)), ((), ())),
                           preferred_element_type=jnp.float32)
    up = lax.dot_general(xb, wub[slot], (((1,), (1,)), ((), ())),
                         preferred_element_type=jnp.float32)
    act = jax.nn.silu(gate) * up
    y = lax.dot_general(act, wdb[slot], (((1,), (1,)), ((), ())),
                        preferred_element_type=jnp.float32)
    y = y * wr_ref[0][:, 0:1]
    rows = b * BM + lax.broadcasted_iota(jnp.int32, (BM, 1), 0)
    mask = (rows >= lo) & (rows < hi)
    ys_ref[...] = jnp.where(mask, y, ys_ref[...])


def _grouped_experts(tile_b, tile_g, offsets, run_of, run_first, run_g,
                     n_runs, xs, Wg, Wu, Wd, wr3):
    return pl.pallas_call(
        _expert_body,
        grid_spec=pltpu.PrefetchScalarGridSpec(
            num_scalar_prefetch=7,
            grid=(NTILES,),
            in_specs=[
                pl.BlockSpec((BM, D),
                             lambda i, tb, tg, off, ro, rf, rg, nr: (tb[i], 0)),
                pl.BlockSpec(memory_space=pltpu.HBM),
                pl.BlockSpec(memory_space=pltpu.HBM),
                pl.BlockSpec(memory_space=pltpu.HBM),
                pl.BlockSpec((1, BM, WL),
                             lambda i, tb, tg, off, ro, rf, rg, nr:
                             (tb[i], 0, 0)),
            ],
            out_specs=pl.BlockSpec((BM, D),
                                   lambda i, tb, tg, off, ro, rf, rg, nr:
                                   (tb[i], 0)),
            scratch_shapes=[pltpu.VMEM((2, H, D), jnp.float32),
                            pltpu.VMEM((2, H, D), jnp.float32),
                            pltpu.VMEM((2, D, H), jnp.float32),
                            pltpu.SemaphoreType.DMA((2, 3))],
        ),
        out_shape=jax.ShapeDtypeStruct((N, D), jnp.float32),
        compiler_params=pltpu.CompilerParams(
            vmem_limit_bytes=100 * 1024 * 1024),
    )(tile_b, tile_g, offsets, run_of, run_first, run_g, n_runs,
      xs, Wg, Wu, Wd, wr3)


def kernel(x, Wr, Wg, Wu, Wd):
    x2d = x.reshape(T, D)
    pos1, pos2, w1b, w2b, off16 = _route(x2d, Wr)
    p1 = pos1.reshape(T)
    p2 = pos2.reshape(T)
    off16 = off16.reshape(16)

    off9 = off16[:9]
    counts = off9[1:] - off9[:8]
    fb = off9[:8] // BM
    lb = (off9[1:9] - 1) // BM
    s = jnp.where(counts > 0, lb - fb + 1, 0)
    ws = jnp.concatenate([jnp.zeros(1, jnp.int32),
                          jnp.cumsum(s)]).astype(jnp.int32)
    wtot = ws[E]
    i_arr = jnp.arange(NTILES, dtype=jnp.int32)
    g_raw = jnp.sum((i_arr[:, None] >= ws[None, 1:]).astype(jnp.int32), axis=1)
    g_c = jnp.minimum(g_raw, E - 1)
    b_raw = fb[g_c] + (i_arr - ws[g_c])
    valid = i_arr < wtot
    tile_g = jnp.where(valid, g_c, jnp.take(g_c, wtot - 1)).astype(jnp.int32)
    tile_b = jnp.where(valid, b_raw, jnp.take(b_raw, wtot - 1)).astype(jnp.int32)

    prev_g = jnp.concatenate([jnp.full((1,), -1, jnp.int32), tile_g[:-1]])
    run_first = (tile_g != prev_g).astype(jnp.int32)
    run_of = jnp.cumsum(run_first).astype(jnp.int32) - 1
    n_runs = (run_of[-1] + 1).reshape(1)
    run_g = jnp.zeros(E + 1, jnp.int32).at[run_of].set(tile_g)

    xs, wrD = _get_sc_dispatch()(x2d, p1, p2, w1b, w2b)
    ys = _grouped_experts(tile_b, tile_g, off16, run_of, run_first, run_g,
                          n_runs, xs, Wg, Wu, Wd, wrD.reshape(NB, BM, WL))
    out = _get_sc_combine()(ys, p1, p2)
    return out.reshape(1, T, D)

# --- scband reference (transcript-rebuilt; emitter-appended) ---
"""Pipeline reference for scband-mo-efeed-forward-62251255988351 (READ-ONLY COPY).

The authoritative reference and input builder live on the scoring server;
editing this copy changes nothing except your own understanding.
"""

import jax, jax.numpy as jnp
import numpy as np

EMBED_DIM = 768
NUM_EXPERTS = 8
TOP_K = 2

def _hidden_dim(embed_dim):
    h = embed_dim * 4
    h = int(2 * h / 3)
    h = (h + 63) // 64 * 64
    return h

HIDDEN_DIM = _hidden_dim(EMBED_DIM)  # 2048

def setup_inputs(seed: int = 0):
    key = jax.random.key(seed)
    ks = jax.random.split(key, 5)
    d, E, h = EMBED_DIM, NUM_EXPERTS, HIDDEN_DIM
    x = jax.random.normal(ks[0], (1, 2048, d), dtype=jnp.float32)
    Wr = jax.random.normal(ks[1], (E, d), dtype=jnp.float32) * (1.0 / np.sqrt(d))
    Wg = jax.random.normal(ks[2], (E, h, d), dtype=jnp.float32) * (1.0 / np.sqrt(d))
    Wu = jax.random.normal(ks[3], (E, h, d), dtype=jnp.float32) * (1.0 / np.sqrt(d))
    Wd = jax.random.normal(ks[4], (E, d, h), dtype=jnp.float32) * (1.0 / np.sqrt(h))
    return {"x": x, "Wr": Wr, "Wg": Wg, "Wu": Wu, "Wd": Wd}

def reference(x, Wr, Wg, Wu, Wd):
    B, S, d = x.shape
    E = Wr.shape[0]
    # router (nn.Linear without bias): logits = x @ Wr.T
    router_logits = jnp.einsum('bsd,ed->bse', x, Wr)
    routing_weights = jax.nn.softmax(router_logits, axis=-1)
    top_k_weights, top_k_indices = jax.lax.top_k(routing_weights, TOP_K)
    top_k_weights = top_k_weights / jnp.sum(top_k_weights, axis=-1, keepdims=True)
    # combine weights per expert: cw[b,s,e] = sum_k w_k * [idx_k == e]
    onehot = jax.nn.one_hot(top_k_indices, E, dtype=x.dtype)  # [B,S,K,E]
    cw = jnp.sum(top_k_weights[..., None] * onehot, axis=2)    # [B,S,E]
    x_flat = x.reshape(-1, d)        # [T,d]
    cw_flat = cw.reshape(-1, E)      # [T,E]
    # SwiGLU experts (gate/up/down, no bias)
    g = jnp.einsum('td,ehd->teh', x_flat, Wg)
    u = jnp.einsum('td,ehd->teh', x_flat, Wu)
    act = jax.nn.silu(g) * u
    expert_out = jnp.einsum('teh,edh->ted', act, Wd)  # [T,E,d]
    out = jnp.einsum('te,ted->td', cw_flat, expert_out)
    # dropout is identity in eval mode
    return out.reshape(B, S, d)

if __name__ == "__main__":
    import jax
    _d = setup_inputs()
    print(jax.jit(kernel)(*tuple(_d.values())))

</pallas_src>

<mosaic_0001>
#map = affine_map<(d0, d1) -> (0, 0)>
#map1 = affine_map<(d0, d1) -> (0)>
module attributes {stable_mosaic.version = 14 : i64} {
  func.func @_sc_dispatch(%arg0: i32, %arg1: i32, %arg2: memref<2048x768xf32, #tpu.memory_space<hbm>>, %arg3: memref<2048xi32, #tpu.memory_space<hbm>>, %arg4: memref<2048xi32, #tpu.memory_space<hbm>>, %arg5: memref<2048x128xf32, #tpu.memory_space<hbm>>, %arg6: memref<2048x128xf32, #tpu.memory_space<hbm>>, %arg7: memref<4096x768xf32, #tpu.memory_space<hbm>>, %arg8: memref<4096x128xf32, #tpu.memory_space<hbm>>, %arg9: memref<64x768xf32, #tpu.memory_space<vmem>>, %arg10: memref<64xi32, #tpu.memory_space<vmem>>, %arg11: memref<64xi32, #tpu.memory_space<vmem>>, %arg12: memref<64x128xf32, #tpu.memory_space<vmem>>, %arg13: memref<64x128xf32, #tpu.memory_space<vmem>>, %arg14: memref<!tpu.dma_semaphore, #tpu.memory_space<semaphore_mem>>, %arg15: memref<!tpu.dma_semaphore, #tpu.memory_space<semaphore_mem>>, %arg16: memref<!tpu.dma_semaphore, #tpu.memory_space<semaphore_mem>>, %arg17: memref<!tpu.dma_semaphore, #tpu.memory_space<semaphore_mem>>) attributes {dimension_semantics = [#tpu.dimension_semantics<core_parallel>, #tpu.dimension_semantics<subcore_parallel>], iteration_bounds = array<i64: 2, 16>, scalar_prefetch = 0 : i64, scratch_operands = 9 : i64, tpu.core_type = #tpu.core_type<sc_vector_subcore>, window_params = [{transform_indices = #map}, {transform_indices = #map1}, {transform_indices = #map1}, {transform_indices = #map}, {transform_indices = #map}, {transform_indices = #map}, {transform_indices = #map}]} {
    %mul3A = arith.constant 2 : i32
    %mul3A_0 = arith.muli %arg1, %mul3A : i32
    %add3A = arith.addi %mul3A_0, %arg0 : i32
    %mul3A_1 = arith.constant 64 : i32
    %mul3A_2 = arith.muli %add3A, %mul3A_1 : i32
    "tpu.region"() ({
      %run_scoped3A = tpu.sem_alloc : memref<!tpu.dma_semaphore, #tpu.memory_space<semaphore_mem>>
      %dma_start3A_25 = arith.constant 0 : i32
      %dma_start3A_26 = tpu.memref_slice %arg2[%mul3A_2, %dma_start3A_25] : memref<2048x768xf32, #tpu.memory_space<hbm>> -> memref<64x768xf32, #tpu.memory_space<hbm>>
      %dma_start3A_27 = arith.constant 0 : i32
      %dma_start3A_28 = tpu.memref_slice %arg2[%mul3A_2, %dma_start3A_27] : memref<2048x768xf32, #tpu.memory_space<hbm>> -> memref<64x768xf32, #tpu.memory_space<hbm>>
      tpu.enqueue_dma source(%dma_start3A_28 : memref<64x768xf32, #tpu.memory_space<hbm>>) target(%arg9 : memref<64x768xf32, #tpu.memory_space<vmem>>) target_semaphore(%run_scoped3A : memref<!tpu.dma_semaphore, #tpu.memory_space<semaphore_mem>>)
      %dma_wait3A_29 = arith.constant 0 : i32
      %dma_wait3A_30 = tpu.memref_slice %arg2[%mul3A_2, %dma_wait3A_29] : memref<2048x768xf32, #tpu.memory_space<hbm>> -> memref<64x768xf32, #tpu.memory_space<hbm>>
      %dma_wait3A_31 = arith.constant 0 : i32
      %dma_wait3A_32 = tpu.memref_slice %arg2[%mul3A_2, %dma_wait3A_31] : memref<2048x768xf32, #tpu.memory_space<hbm>> -> memref<64x768xf32, #tpu.memory_space<hbm>>
      tpu.wait_dma2 semaphore(%run_scoped3A : memref<!tpu.dma_semaphore, #tpu.memory_space<semaphore_mem>>) src(%dma_wait3A_32 : memref<64x768xf32, #tpu.memory_space<hbm>>) dst(%arg9 : memref<64x768xf32, #tpu.memory_space<vmem>>)
      tpu.yield
    }) : () -> ()
    "tpu.region"() ({
      %run_scoped3A = tpu.sem_alloc : memref<!tpu.dma_semaphore, #tpu.memory_space<semaphore_mem>>
      %dma_start3A_25 = tpu.memref_slice %arg3[%mul3A_2] : memref<2048xi32, #tpu.memory_space<hbm>> -> memref<64xi32, #tpu.memory_space<hbm>>
      %dma_start3A_26 = tpu.memref_slice %arg3[%mul3A_2] : memref<2048xi32, #tpu.memory_space<hbm>> -> memref<64xi32, #tpu.memory_space<hbm>>
      tpu.enqueue_dma source(%dma_start3A_26 : memref<64xi32, #tpu.memory_space<hbm>>) target(%arg10 : memref<64xi32, #tpu.memory_space<vmem>>) target_semaphore(%run_scoped3A : memref<!tpu.dma_semaphore, #tpu.memory_space<semaphore_mem>>)
      %dma_wait3A_27 = tpu.memref_slice %arg3[%mul3A_2] : memref<2048xi32, #tpu.memory_space<hbm>> -> memref<64xi32, #tpu.memory_space<hbm>>
      %dma_wait3A_28 = tpu.memref_slice %arg3[%mul3A_2] : memref<2048xi32, #tpu.memory_space<hbm>> -> memref<64xi32, #tpu.memory_space<hbm>>
      tpu.wait_dma2 semaphore(%run_scoped3A : memref<!tpu.dma_semaphore, #tpu.memory_space<semaphore_mem>>) src(%dma_wait3A_28 : memref<64xi32, #tpu.memory_space<hbm>>) dst(%arg10 : memref<64xi32, #tpu.memory_space<vmem>>)
      tpu.yield
    }) : () -> ()
    "tpu.region"() ({
      %run_scoped3A = tpu.sem_alloc : memref<!tpu.dma_semaphore, #tpu.memory_space<semaphore_mem>>
      %dma_start3A_25 = tpu.memref_slice %arg4[%mul3A_2] : memref<2048xi32, #tpu.memory_space<hbm>> -> memref<64xi32, #tpu.memory_space<hbm>>
      %dma_start3A_26 = tpu.memref_slice %arg4[%mul3A_2] : memref<2048xi32, #tpu.memory_space<hbm>> -> memref<64xi32, #tpu.memory_space<hbm>>
      tpu.enqueue_dma source(%dma_start3A_26 : memref<64xi32, #tpu.memory_space<hbm>>) target(%arg11 : memref<64xi32, #tpu.memory_space<vmem>>) target_semaphore(%run_scoped3A : memref<!tpu.dma_semaphore, #tpu.memory_space<semaphore_mem>>)
      %dma_wait3A_27 = tpu.memref_slice %arg4[%mul3A_2] : memref<2048xi32, #tpu.memory_space<hbm>> -> memref<64xi32, #tpu.memory_space<hbm>>
      %dma_wait3A_28 = tpu.memref_slice %arg4[%mul3A_2] : memref<2048xi32, #tpu.memory_space<hbm>> -> memref<64xi32, #tpu.memory_space<hbm>>
      tpu.wait_dma2 semaphore(%run_scoped3A : memref<!tpu.dma_semaphore, #tpu.memory_space<semaphore_mem>>) src(%dma_wait3A_28 : memref<64xi32, #tpu.memory_space<hbm>>) dst(%arg11 : memref<64xi32, #tpu.memory_space<vmem>>)
      tpu.yield
    }) : () -> ()
    "tpu.region"() ({
      %run_scoped3A = tpu.sem_alloc : memref<!tpu.dma_semaphore, #tpu.memory_space<semaphore_mem>>
      %dma_start3A_25 = arith.constant 0 : i32
      %dma_start3A_26 = tpu.memref_slice %arg5[%mul3A_2, %dma_start3A_25] : memref<2048x128xf32, #tpu.memory_space<hbm>> -> memref<64x128xf32, #tpu.memory_space<hbm>>
      %dma_start3A_27 = arith.constant 0 : i32
      %dma_start3A_28 = tpu.memref_slice %arg5[%mul3A_2, %dma_start3A_27] : memref<2048x128xf32, #tpu.memory_space<hbm>> -> memref<64x128xf32, #tpu.memory_space<hbm>>
      tpu.enqueue_dma source(%dma_start3A_28 : memref<64x128xf32, #tpu.memory_space<hbm>>) target(%arg12 : memref<64x128xf32, #tpu.memory_space<vmem>>) target_semaphore(%run_scoped3A : memref<!tpu.dma_semaphore, #tpu.memory_space<semaphore_mem>>)
      %dma_wait3A_29 = arith.constant 0 : i32
      %dma_wait3A_30 = tpu.memref_slice %arg5[%mul3A_2, %dma_wait3A_29] : memref<2048x128xf32, #tpu.memory_space<hbm>> -> memref<64x128xf32, #tpu.memory_space<hbm>>
      %dma_wait3A_31 = arith.constant 0 : i32
      %dma_wait3A_32 = tpu.memref_slice %arg5[%mul3A_2, %dma_wait3A_31] : memref<2048x128xf32, #tpu.memory_space<hbm>> -> memref<64x128xf32, #tpu.memory_space<hbm>>
      tpu.wait_dma2 semaphore(%run_scoped3A : memref<!tpu.dma_semaphore, #tpu.memory_space<semaphore_mem>>) src(%dma_wait3A_32 : memref<64x128xf32, #tpu.memory_space<hbm>>) dst(%arg12 : memref<64x128xf32, #tpu.memory_space<vmem>>)
      tpu.yield
    }) : () -> ()
    "tpu.region"() ({
      %run_scoped3A = tpu.sem_alloc : memref<!tpu.dma_semaphore, #tpu.memory_space<semaphore_mem>>
      %dma_start3A_25 = arith.constant 0 : i32
      %dma_start3A_26 = tpu.memref_slice %arg6[%mul3A_2, %dma_start3A_25] : memref<2048x128xf32, #tpu.memory_space<hbm>> -> memref<64x128xf32, #tpu.memory_space<hbm>>
      %dma_start3A_27 = arith.constant 0 : i32
      %dma_start3A_28 = tpu.memref_slice %arg6[%mul3A_2, %dma_start3A_27] : memref<2048x128xf32, #tpu.memory_space<hbm>> -> memref<64x128xf32, #tpu.memory_space<hbm>>
      tpu.enqueue_dma source(%dma_start3A_28 : memref<64x128xf32, #tpu.memory_space<hbm>>) target(%arg13 : memref<64x128xf32, #tpu.memory_space<vmem>>) target_semaphore(%run_scoped3A : memref<!tpu.dma_semaphore, #tpu.memory_space<semaphore_mem>>)
      %dma_wait3A_29 = arith.constant 0 : i32
      %dma_wait3A_30 = tpu.memref_slice %arg6[%mul3A_2, %dma_wait3A_29] : memref<2048x128xf32, #tpu.memory_space<hbm>> -> memref<64x128xf32, #tpu.memory_space<hbm>>
      %dma_wait3A_31 = arith.constant 0 : i32
      %dma_wait3A_32 = tpu.memref_slice %arg6[%mul3A_2, %dma_wait3A_31] : memref<2048x128xf32, #tpu.memory_space<hbm>> -> memref<64x128xf32, #tpu.memory_space<hbm>>
      tpu.wait_dma2 semaphore(%run_scoped3A : memref<!tpu.dma_semaphore, #tpu.memory_space<semaphore_mem>>) src(%dma_wait3A_32 : memref<64x128xf32, #tpu.memory_space<hbm>>) dst(%arg13 : memref<64x128xf32, #tpu.memory_space<vmem>>)
      tpu.yield
    }) : () -> ()
    %dma_start3A = arith.constant 0 : i32
    %dma_start3A_3 = arith.constant 0 : i32
    %dma_start3A_4 = tpu.memref_slice %arg7[%dma_start3A, %dma_start3A_3] : memref<4096x768xf32, #tpu.memory_space<hbm>> -> memref<4096x768xf32, #tpu.memory_space<hbm>>
    tpu.enqueue_indirect_dma source(%arg9 : memref<64x768xf32, #tpu.memory_space<vmem>>) target(%dma_start3A_4 : memref<4096x768xf32, #tpu.memory_space<hbm>>) offsets(%arg10 : memref<64xi32, #tpu.memory_space<vmem>>) semaphore(%arg14 : memref<!tpu.dma_semaphore, #tpu.memory_space<semaphore_mem>>)
    %dma_start3A_5 = arith.constant 0 : i32
    %dma_start3A_6 = arith.constant 0 : i32
    %dma_start3A_7 = tpu.memref_slice %arg7[%dma_start3A_5, %dma_start3A_6] : memref<4096x768xf32, #tpu.memory_space<hbm>> -> memref<4096x768xf32, #tpu.memory_space<hbm>>
    tpu.enqueue_indirect_dma source(%arg9 : memref<64x768xf32, #tpu.memory_space<vmem>>) target(%dma_start3A_7 : memref<4096x768xf32, #tpu.memory_space<hbm>>) offsets(%arg11 : memref<64xi32, #tpu.memory_space<vmem>>) semaphore(%arg15 : memref<!tpu.dma_semaphore, #tpu.memory_space<semaphore_mem>>)
    %dma_start3A_8 = arith.constant 0 : i32
    %dma_start3A_9 = arith.constant 0 : i32
    %dma_start3A_10 = tpu.memref_slice %arg8[%dma_start3A_8, %dma_start3A_9] : memref<4096x128xf32, #tpu.memory_space<hbm>> -> memref<4096x128xf32, #tpu.memory_space<hbm>>
    tpu.enqueue_indirect_dma source(%arg12 : memref<64x128xf32, #tpu.memory_space<vmem>>) target(%dma_start3A_10 : memref<4096x128xf32, #tpu.memory_space<hbm>>) offsets(%arg10 : memref<64xi32, #tpu.memory_space<vmem>>) semaphore(%arg16 : memref<!tpu.dma_semaphore, #tpu.memory_space<semaphore_mem>>)
    %dma_start3A_11 = arith.constant 0 : i32
    %dma_start3A_12 = arith.constant 0 : i32
    %dma_start3A_13 = tpu.memref_slice %arg8[%dma_start3A_11, %dma_start3A_12] : memref<4096x128xf32, #tpu.memory_space<hbm>> -> memref<4096x128xf32, #tpu.memory_space<hbm>>
    tpu.enqueue_indirect_dma source(%arg13 : memref<64x128xf32, #tpu.memory_space<vmem>>) target(%dma_start3A_13 : memref<4096x128xf32, #tpu.memory_space<hbm>>) offsets(%arg11 : memref<64xi32, #tpu.memory_space<vmem>>) semaphore(%arg17 : memref<!tpu.dma_semaphore, #tpu.memory_space<semaphore_mem>>)
    %dma_wait3A = arith.constant 0 : i32
    %dma_wait3A_14 = arith.constant 0 : i32
    %dma_wait3A_15 = tpu.memref_slice %arg7[%dma_wait3A, %dma_wait3A_14] : memref<4096x768xf32, #tpu.memory_space<hbm>> -> memref<4096x768xf32, #tpu.memory_space<hbm>>
    tpu.wait_indirect_dma semaphore(%arg14 : memref<!tpu.dma_semaphore, #tpu.memory_space<semaphore_mem>>) src(%arg9 : memref<64x768xf32, #tpu.memory_space<vmem>>) dst(%dma_wait3A_15 : memref<4096x768xf32, #tpu.memory_space<hbm>>)
    %dma_wait3A_16 = arith.constant 0 : i32
    %dma_wait3A_17 = arith.constant 0 : i32
    %dma_wait3A_18 = tpu.memref_slice %arg7[%dma_wait3A_16, %dma_wait3A_17] : memref<4096x768xf32, #tpu.memory_space<hbm>> -> memref<4096x768xf32, #tpu.memory_space<hbm>>
    tpu.wait_indirect_dma semaphore(%arg15 : memref<!tpu.dma_semaphore, #tpu.memory_space<semaphore_mem>>) src(%arg9 : memref<64x768xf32, #tpu.memory_space<vmem>>) dst(%dma_wait3A_18 : memref<4096x768xf32, #tpu.memory_space<hbm>>)
    %dma_wait3A_19 = arith.constant 0 : i32
    %dma_wait3A_20 = arith.constant 0 : i32
    %dma_wait3A_21 = tpu.memref_slice %arg8[%dma_wait3A_19, %dma_wait3A_20] : memref<4096x128xf32, #tpu.memory_space<hbm>> -> memref<4096x128xf32, #tpu.memory_space<hbm>>
    tpu.wait_indirect_dma semaphore(%arg16 : memref<!tpu.dma_semaphore, #tpu.memory_space<semaphore_mem>>) src(%arg12 : memref<64x128xf32, #tpu.memory_space<vmem>>) dst(%dma_wait3A_21 : memref<4096x128xf32, #tpu.memory_space<hbm>>)
    %dma_wait3A_22 = arith.constant 0 : i32
    %dma_wait3A_23 = arith.constant 0 : i32
    %dma_wait3A_24 = tpu.memref_slice %arg8[%dma_wait3A_22, %dma_wait3A_23] : memref<4096x128xf32, #tpu.memory_space<hbm>> -> memref<4096x128xf32, #tpu.memory_space<hbm>>
    tpu.wait_indirect_dma semaphore(%arg17 : memref<!tpu.dma_semaphore, #tpu.memory_space<semaphore_mem>>) src(%arg13 : memref<64x128xf32, #tpu.memory_space<vmem>>) dst(%dma_wait3A_24 : memref<4096x128xf32, #tpu.memory_space<hbm>>)
    return
  }
}

#map = affine_map<(d0, d1) -> (0, 0)>
#map1 = affine_map<(d0, d1) -> (0)>
module attributes {stable_mosaic.version = 14 : i64} {
  func.func @_sc_combine(%arg0: i32, %arg1: i32, %arg2: memref<4096x768xf32, #tpu.memory_space<hbm>>, %arg3: memref<2048xi32, #tpu.memory_space<hbm>>, %arg4: memref<2048xi32, #tpu.memory_space<hbm>>, %arg5: memref<2048x768xf32, #tpu.memory_space<hbm>>, %arg6: memref<64xi32, #tpu.memory_space<vmem>>, %arg7: memref<64xi32, #tpu.memory_space<vmem>>, %arg8: memref<64x768xf32, #tpu.memory_space<vmem>>, %arg9: memref<64x768xf32, #tpu.memory_space<vmem>>, %arg10: memref<!tpu.dma_semaphore, #tpu.memory_space<semaphore_mem>>, %arg11: memref<!tpu.dma_semaphore, #tpu.memory_space<semaphore_mem>>) attributes {dimension_semantics = [#tpu.dimension_semantics<core_parallel>, #tpu.dimension_semantics<subcore_parallel>], iteration_bounds = array<i64: 2, 16>, scalar_prefetch = 0 : i64, scratch_operands = 6 : i64, tpu.core_type = #tpu.core_type<sc_vector_subcore>, window_params = [{transform_indices = #map}, {transform_indices = #map1}, {transform_indices = #map1}, {transform_indices = #map}]} {
    %mul3A = arith.constant 2 : i32
    %mul3A_0 = arith.muli %arg1, %mul3A : i32
    %add3A = arith.addi %mul3A_0, %arg0 : i32
    %mul3A_1 = arith.constant 64 : i32
    %mul3A_2 = arith.muli %add3A, %mul3A_1 : i32
    "tpu.region"() ({
      %run_scoped3A = tpu.sem_alloc : memref<!tpu.dma_semaphore, #tpu.memory_space<semaphore_mem>>
      %dma_start3A_18 = tpu.memref_slice %arg3[%mul3A_2] : memref<2048xi32, #tpu.memory_space<hbm>> -> memref<64xi32, #tpu.memory_space<hbm>>
      %dma_start3A_19 = tpu.memref_slice %arg3[%mul3A_2] : memref<2048xi32, #tpu.memory_space<hbm>> -> memref<64xi32, #tpu.memory_space<hbm>>
      tpu.enqueue_dma source(%dma_start3A_19 : memref<64xi32, #tpu.memory_space<hbm>>) target(%arg6 : memref<64xi32, #tpu.memory_space<vmem>>) target_semaphore(%run_scoped3A : memref<!tpu.dma_semaphore, #tpu.memory_space<semaphore_mem>>)
      %dma_wait3A_20 = tpu.memref_slice %arg3[%mul3A_2] : memref<2048xi32, #tpu.memory_space<hbm>> -> memref<64xi32, #tpu.memory_space<hbm>>
      %dma_wait3A_21 = tpu.memref_slice %arg3[%mul3A_2] : memref<2048xi32, #tpu.memory_space<hbm>> -> memref<64xi32, #tpu.memory_space<hbm>>
      tpu.wait_dma2 semaphore(%run_scoped3A : memref<!tpu.dma_semaphore, #tpu.memory_space<semaphore_mem>>) src(%dma_wait3A_21 : memref<64xi32, #tpu.memory_space<hbm>>) dst(%arg6 : memref<64xi32, #tpu.memory_space<vmem>>)
      tpu.yield
    }) : () -> ()
    "tpu.region"() ({
      %run_scoped3A = tpu.sem_alloc : memref<!tpu.dma_semaphore, #tpu.memory_space<semaphore_mem>>
      %dma_start3A_18 = tpu.memref_slice %arg4[%mul3A_2] : memref<2048xi32, #tpu.memory_space<hbm>> -> memref<64xi32, #tpu.memory_space<hbm>>
      %dma_start3A_19 = tpu.memref_slice %arg4[%mul3A_2] : memref<2048xi32, #tpu.memory_space<hbm>> -> memref<64xi32, #tpu.memory_space<hbm>>
      tpu.enqueue_dma source(%dma_start3A_19 : memref<64xi32, #tpu.memory_space<hbm>>) target(%arg7 : memref<64xi32, #tpu.memory_space<vmem>>) target_semaphore(%run_scoped3A : memref<!tpu.dma_semaphore, #tpu.memory_space<semaphore_mem>>)
      %dma_wait3A_20 = tpu.memref_slice %arg4[%mul3A_2] : memref<2048xi32, #tpu.memory_space<hbm>> -> memref<64xi32, #tpu.memory_space<hbm>>
      %dma_wait3A_21 = tpu.memref_slice %arg4[%mul3A_2] : memref<2048xi32, #tpu.memory_space<hbm>> -> memref<64xi32, #tpu.memory_space<hbm>>
      tpu.wait_dma2 semaphore(%run_scoped3A : memref<!tpu.dma_semaphore, #tpu.memory_space<semaphore_mem>>) src(%dma_wait3A_21 : memref<64xi32, #tpu.memory_space<hbm>>) dst(%arg7 : memref<64xi32, #tpu.memory_space<vmem>>)
      tpu.yield
    }) : () -> ()
    %dma_start3A = arith.constant 0 : i32
    %dma_start3A_3 = arith.constant 0 : i32
    %dma_start3A_4 = tpu.memref_slice %arg2[%dma_start3A, %dma_start3A_3] : memref<4096x768xf32, #tpu.memory_space<hbm>> -> memref<4096x768xf32, #tpu.memory_space<hbm>>
    tpu.enqueue_indirect_dma source(%dma_start3A_4 : memref<4096x768xf32, #tpu.memory_space<hbm>>) target(%arg8 : memref<64x768xf32, #tpu.memory_space<vmem>>) offsets(%arg6 : memref<64xi32, #tpu.memory_space<vmem>>) semaphore(%arg10 : memref<!tpu.dma_semaphore, #tpu.memory_space<semaphore_mem>>)
    %dma_start3A_5 = arith.constant 0 : i32
    %dma_start3A_6 = arith.constant 0 : i32
    %dma_start3A_7 = tpu.memref_slice %arg2[%dma_start3A_5, %dma_start3A_6] : memref<4096x768xf32, #tpu.memory_space<hbm>> -> memref<4096x768xf32, #tpu.memory_space<hbm>>
    tpu.enqueue_indirect_dma source(%dma_start3A_7 : memref<4096x768xf32, #tpu.memory_space<hbm>>) target(%arg9 : memref<64x768xf32, #tpu.memory_space<vmem>>) offsets(%arg7 : memref<64xi32, #tpu.memory_space<vmem>>) semaphore(%arg11 : memref<!tpu.dma_semaphore, #tpu.memory_space<semaphore_mem>>)
    %dma_wait3A = arith.constant 0 : i32
    %dma_wait3A_8 = arith.constant 0 : i32
    %dma_wait3A_9 = tpu.memref_slice %arg2[%dma_wait3A, %dma_wait3A_8] : memref<4096x768xf32, #tpu.memory_space<hbm>> -> memref<4096x768xf32, #tpu.memory_space<hbm>>
    tpu.wait_indirect_dma semaphore(%arg10 : memref<!tpu.dma_semaphore, #tpu.memory_space<semaphore_mem>>) src(%dma_wait3A_9 : memref<4096x768xf32, #tpu.memory_space<hbm>>) dst(%arg8 : memref<64x768xf32, #tpu.memory_space<vmem>>)
    %dma_wait3A_10 = arith.constant 0 : i32
    %dma_wait3A_11 = arith.constant 0 : i32
    %dma_wait3A_12 = tpu.memref_slice %arg2[%dma_wait3A_10, %dma_wait3A_11] : memref<4096x768xf32, #tpu.memory_space<hbm>> -> memref<4096x768xf32, #tpu.memory_space<hbm>>
    tpu.wait_indirect_dma semaphore(%arg11 : memref<!tpu.dma_semaphore, #tpu.memory_space<semaphore_mem>>) src(%dma_wait3A_12 : memref<4096x768xf32, #tpu.memory_space<hbm>>) dst(%arg9 : memref<64x768xf32, #tpu.memory_space<vmem>>)
    %scan3A = arith.constant 0 : i32
    %scan3A_13 = arith.constant 0 : i32
    %scan3A_14 = arith.constant 64 : i32
    %scan3A_15 = arith.addi %scan3A_13, %scan3A_14 : i32
    %scan3A_16 = arith.constant 1 : i32
    scf.for %scan3A_18 = %scan3A_13 to %scan3A_15 step %scan3A_16  : i32 {
      %scan3A_19 = arith.constant 0 : i32
      %scan3A_20 = arith.constant 48 : i32
      %scan3A_21 = arith.addi %scan3A_19, %scan3A_20 : i32
      %scan3A_22 = arith.constant 8 : i32
      scf.for %scan3A_24 = %scan3A_19 to %scan3A_21 step %scan3A_22  : i32 {
        %mul3A_25 = arith.constant 16 : i32
        %mul3A_26 = arith.muli %scan3A_24, %mul3A_25 : i32
        %get3A = arith.index_cast %scan3A_18 : i32 to index
        %get3A_27 = arith.index_cast %mul3A_26 : i32 to index
        %get3A_28 = tpu.vector_load %arg8[%get3A, %get3A_27] {strides = array<i32>} : memref<64x768xf32, #tpu.memory_space<vmem>>, vector<1x16xf32>,
        %get3A_29 = vector.shape_cast %get3A_28 : vector<1x16xf32> to vector<16xf32>
        %get3A_30 = arith.index_cast %scan3A_18 : i32 to index
        %get3A_31 = arith.index_cast %mul3A_26 : i32 to index
        %get3A_32 = tpu.vector_load %arg9[%get3A_30, %get3A_31] {strides = array<i32>} : memref<64x768xf32, #tpu.memory_space<vmem>>, vector<1x16xf32>,
        %get3A_33 = vector.shape_cast %get3A_32 : vector<1x16xf32> to vector<16xf32>
        %add3A_34 = arith.addf %get3A_29, %get3A_33 : vector<16xf32>
        %swap3A = arith.index_cast %scan3A_18 : i32 to index
        %swap3A_35 = arith.index_cast %mul3A_26 : i32 to index
        %swap3A_36 = tpu.vector_load %arg8[%swap3A, %swap3A_35] {strides = array<i32>} : memref<64x768xf32, #tpu.memory_space<vmem>>, vector<1x16xf32>,
        %swap3A_37 = vector.shape_cast %swap3A_36 : vector<1x16xf32> to vector<16xf32>
        %swap3A_38 = vector.shape_cast %add3A_34 : vector<16xf32> to vector<1x16xf32>
        tpu.vector_store %arg8[%swap3A, %swap3A_35], %swap3A_38 {strides = array<i32>} : memref<64x768xf32, #tpu.memory_space<vmem>>, vector<1x16xf32>,
        %scan3A_39 = arith.constant 1 : i32
        %scan3A_40 = arith.addi %scan3A_24, %scan3A_39 : i32
        %mul3A_41 = arith.constant 16 : i32
        %mul3A_42 = arith.muli %scan3A_40, %mul3A_41 : i32
        %get3A_43 = arith.index_cast %scan3A_18 : i32 to index
        %get3A_44 = arith.index_cast %mul3A_42 : i32 to index
        %get3A_45 = tpu.vector_load %arg8[%get3A_43, %get3A_44] {strides = array<i32>} : memref<64x768xf32, #tpu.memory_space<vmem>>, vector<1x16xf32>,
        %get3A_46 = vector.shape_cast %get3A_45 : vector<1x16xf32> to vector<16xf32>
        %get3A_47 = arith.index_cast %scan3A_18 : i32 to index
        %get3A_48 = arith.index_cast %mul3A_42 : i32 to index
        %get3A_49 = tpu.vector_load %arg9[%get3A_47, %get3A_48] {strides = array<i32>} : memref<64x768xf32, #tpu.memory_space<vmem>>, vector<1x16xf32>,
        %get3A_50 = vector.shape_cast %get3A_49 : vector<1x16xf32> to vector<16xf32>
        %add3A_51 = arith.addf %get3A_46, %get3A_50 : vector<16xf32>
        %swap3A_52 = arith.index_cast %scan3A_18 : i32 to index
        %swap3A_53 = arith.index_cast %mul3A_42 : i32 to index
        %swap3A_54 = tpu.vector_load %arg8[%swap3A_52, %swap3A_53] {strides = array<i32>} : memref<64x768xf32, #tpu.memory_space<vmem>>, vector<1x16xf32>,
        %swap3A_55 = vector.shape_cast %swap3A_54 : vector<1x16xf32> to vector<16xf32>
        %swap3A_56 = vector.shape_cast %add3A_51 : vector<16xf32> to vector<1x16xf32>
        tpu.vector_store %arg8[%swap3A_52, %swap3A_53], %swap3A_56 {strides = array<i32>} : memref<64x768xf32, #tpu.memory_space<vmem>>, vector<1x16xf32>,
        %scan3A_57 = arith.constant 2 : i32
        %scan3A_58 = arith.addi %scan3A_24, %scan3A_57 : i32
        %mul3A_59 = arith.constant 16 : i32
        %mul3A_60 = arith.muli %scan3A_58, %mul3A_59 : i32
        %get3A_61 = arith.index_cast %scan3A_18 : i32 to index
        %get3A_62 = arith.index_cast %mul3A_60 : i32 to index
        %get3A_63 = tpu.vector_load %arg8[%get3A_61, %get3A_62] {strides = array<i32>} : memref<64x768xf32, #tpu.memory_space<vmem>>, vector<1x16xf32>,
        %get3A_64 = vector.shape_cast %get3A_63 : vector<1x16xf32> to vector<16xf32>
        %get3A_65 = arith.index_cast %scan3A_18 : i32 to index
        %get3A_66 = arith.index_cast %mul3A_60 : i32 to index
        %get3A_67 = tpu.vector_load %arg9[%get3A_65, %get3A_66] {strides = array<i32>} : memref<64x768xf32, #tpu.memory_space<vmem>>, vector<1x16xf32>,
        %get3A_68 = vector.shape_cast %get3A_67 : vector<1x16xf32> to vector<16xf32>
        %add3A_69 = arith.addf %get3A_64, %get3A_68 : vector<16xf32>
        %swap3A_70 = arith.index_cast %scan3A_18 : i32 to index
        %swap3A_71 = arith.index_cast %mul3A_60 : i32 to index
        %swap3A_72 = tpu.vector_load %arg8[%swap3A_70, %swap3A_71] {strides = array<i32>} : memref<64x768xf32, #tpu.memory_space<vmem>>, vector<1x16xf32>,
        %swap3A_73 = vector.shape_cast %swap3A_72 : vector<1x16xf32> to vector<16xf32>
        %swap3A_74 = vector.shape_cast %add3A_69 : vector<16xf32> to vector<1x16xf32>
        tpu.vector_store %arg8[%swap3A_70, %swap3A_71], %swap3A_74 {strides = array<i32>} : memref<64x768xf32, #tpu.memory_space<vmem>>, vector<1x16xf32>,
        %scan3A_75 = arith.constant 3 : i32
        %scan3A_76 = arith.addi %scan3A_24, %scan3A_75 : i32
        %mul3A_77 = arith.constant 16 : i32
        %mul3A_78 = arith.muli %scan3A_76, %mul3A_77 : i32
        %get3A_79 = arith.index_cast %scan3A_18 : i32 to index
        %get3A_80 = arith.index_cast %mul3A_78 : i32 to index
        %get3A_81 = tpu.vector_load %arg8[%get3A_79, %get3A_80] {strides = array<i32>} : memref<64x768xf32, #tpu.memory_space<vmem>>, vector<1x16xf32>,
        %get3A_82 = vector.shape_cast %get3A_81 : vector<1x16xf32> to vector<16xf32>
        %get3A_83 = arith.index_cast %scan3A_18 : i32 to index
        %get3A_84 = arith.index_cast %mul3A_78 : i32 to index
        %get3A_85 = tpu.vector_load %arg9[%get3A_83, %get3A_84] {strides = array<i32>} : memref<64x768xf32, #tpu.memory_space<vmem>>, vector<1x16xf32>,
        %get3A_86 = vector.shape_cast %get3A_85 : vector<1x16xf32> to vector<16xf32>
        %add3A_87 = arith.addf %get3A_82, %get3A_86 : vector<16xf32>
        %swap3A_88 = arith.index_cast %scan3A_18 : i32 to index
        %swap3A_89 = arith.index_cast %mul3A_78 : i32 to index
        %swap3A_90 = tpu.vector_load %arg8[%swap3A_88, %swap3A_89] {strides = array<i32>} : memref<64x768xf32, #tpu.memory_space<vmem>>, vector<1x16xf32>,
        %swap3A_91 = vector.shape_cast %swap3A_90 : vector<1x16xf32> to vector<16xf32>
        %swap3A_92 = vector.shape_cast %add3A_87 : vector<16xf32> to vector<1x16xf32>
        tpu.vector_store %arg8[%swap3A_88, %swap3A_89], %swap3A_92 {strides = array<i32>} : memref<64x768xf32, #tpu.memory_space<vmem>>, vector<1x16xf32>,
        %scan3A_93 = arith.constant 4 : i32
        %scan3A_94 = arith.addi %scan3A_24, %scan3A_93 : i32
        %mul3A_95 = arith.constant 16 : i32
        %mul3A_96 = arith.muli %scan3A_94, %mul3A_95 : i32
        %get3A_97 = arith.index_cast %scan3A_18 : i32 to index
        %get3A_98 = arith.index_cast %mul3A_96 : i32 to index
        %get3A_99 = tpu.vector_load %arg8[%get3A_97, %get3A_98] {strides = array<i32>} : memref<64x768xf32, #tpu.memory_space<vmem>>, vector<1x16xf32>,
        %get3A_100 = vector.shape_cast %get3A_99 : vector<1x16xf32> to vector<16xf32>
        %get3A_101 = arith.index_cast %scan3A_18 : i32 to index
        %get3A_102 = arith.index_cast %mul3A_96 : i32 to index
        %get3A_103 = tpu.vector_load %arg9[%get3A_101, %get3A_102] {strides = array<i32>} : memref<64x768xf32, #tpu.memory_space<vmem>>, vector<1x16xf32>,
        %get3A_104 = vector.shape_cast %get3A_103 : vector<1x16xf32> to vector<16xf32>
        %add3A_105 = arith.addf %get3A_100, %get3A_104 : vector<16xf32>
        %swap3A_106 = arith.index_cast %scan3A_18 : i32 to index
        %swap3A_107 = arith.index_cast %mul3A_96 : i32 to index
        %swap3A_108 = tpu.vector_load %arg8[%swap3A_106, %swap3A_107] {strides = array<i32>} : memref<64x768xf32, #tpu.memory_space<vmem>>, vector<1x16xf32>,
        %swap3A_109 = vector.shape_cast %swap3A_108 : vector<1x16xf32> to vector<16xf32>
        %swap3A_110 = vector.shape_cast %add3A_105 : vector<16xf32> to vector<1x16xf32>
        tpu.vector_store %arg8[%swap3A_106, %swap3A_107], %swap3A_110 {strides = array<i32>} : memref<64x768xf32, #tpu.memory_space<vmem>>, vector<1x16xf32>,
        %scan3A_111 = arith.constant 5 : i32
        %scan3A_112 = arith.addi %scan3A_24, %scan3A_111 : i32
        %mul3A_113 = arith.constant 16 : i32
        %mul3A_114 = arith.muli %scan3A_112, %mul3A_113 : i32
        %get3A_115 = arith.index_cast %scan3A_18 : i32 to index
        %get3A_116 = arith.index_cast %mul3A_114 : i32 to index
        %get3A_117 = tpu.vector_load %arg8[%get3A_115, %get3A_116] {strides = array<i32>} : memref<64x768xf32, #tpu.memory_space<vmem>>, vector<1x16xf32>,
        %get3A_118 = vector.shape_cast %get3A_117 : vector<1x16xf32> to vector<16xf32>
        %get3A_119 = arith.index_cast %scan3A_18 : i32 to index
        %get3A_120 = arith.index_cast %mul3A_114 : i32 to index
        %get3A_121 = tpu.vector_load %arg9[%get3A_119, %get3A_120] {strides = array<i32>} : memref<64x768xf32, #tpu.memory_space<vmem>>, vector<1x16xf32>,
        %get3A_122 = vector.shape_cast %get3A_121 : vector<1x16xf32> to vector<16xf32>
        %add3A_123 = arith.addf %get3A_118, %get3A_122 : vector<16xf32>
        %swap3A_124 = arith.index_cast %scan3A_18 : i32 to index
        %swap3A_125 = arith.index_cast %mul3A_114 : i32 to index
        %swap3A_126 = tpu.vector_load %arg8[%swap3A_124, %swap3A_125] {strides = array<i32>} : memref<64x768xf32, #tpu.memory_space<vmem>>, vector<1x16xf32>,
        %swap3A_127 = vector.shape_cast %swap3A_126 : vector<1x16xf32> to vector<16xf32>
        %swap3A_128 = vector.shape_cast %add3A_123 : vector<16xf32> to vector<1x16xf32>
        tpu.vector_store %arg8[%swap3A_124, %swap3A_125], %swap3A_128 {strides = array<i32>} : memref<64x768xf32, #tpu.memory_space<vmem>>, vector<1x16xf32>,
        %scan3A_129 = arith.constant 6 : i32
        %scan3A_130 = arith.addi %scan3A_24, %scan3A_129 : i32
        %mul3A_131 = arith.constant 16 : i32
        %mul3A_132 = arith.muli %scan3A_130, %mul3A_131 : i32
        %get3A_133 = arith.index_cast %scan3A_18 : i32 to index
        %get3A_134 = arith.index_cast %mul3A_132 : i32 to index
        %get3A_135 = tpu.vector_load %arg8[%get3A_133, %get3A_134] {strides = array<i32>} : memref<64x768xf32, #tpu.memory_space<vmem>>, vector<1x16xf32>,
        %get3A_136 = vector.shape_cast %get3A_135 : vector<1x16xf32> to vector<16xf32>
        %get3A_137 = arith.index_cast %scan3A_18 : i32 to index
        %get3A_138 = arith.index_cast %mul3A_132 : i32 to index
        %get3A_139 = tpu.vector_load %arg9[%get3A_137, %get3A_138] {strides = array<i32>} : memref<64x768xf32, #tpu.memory_space<vmem>>, vector<1x16xf32>,
        %get3A_140 = vector.shape_cast %get3A_139 : vector<1x16xf32> to vector<16xf32>
        %add3A_141 = arith.addf %get3A_136, %get3A_140 : vector<16xf32>
        %swap3A_142 = arith.index_cast %scan3A_18 : i32 to index
        %swap3A_143 = arith.index_cast %mul3A_132 : i32 to index
        %swap3A_144 = tpu.vector_load %arg8[%swap3A_142, %swap3A_143] {strides = array<i32>} : memref<64x768xf32, #tpu.memory_space<vmem>>, vector<1x16xf32>,
        %swap3A_145 = vector.shape_cast %swap3A_144 : vector<1x16xf32> to vector<16xf32>
        %swap3A_146 = vector.shape_cast %add3A_141 : vector<16xf32> to vector<1x16xf32>
        tpu.vector_store %arg8[%swap3A_142, %swap3A_143], %swap3A_146 {strides = array<i32>} : memref<64x768xf32, #tpu.memory_space<vmem>>, vector<1x16xf32>,
        %scan3A_147 = arith.constant 7 : i32
        %scan3A_148 = arith.addi %scan3A_24, %scan3A_147 : i32
        %mul3A_149 = arith.constant 16 : i32
        %mul3A_150 = arith.muli %scan3A_148, %mul3A_149 : i32
        %get3A_151 = arith.index_cast %scan3A_18 : i32 to index
        %get3A_152 = arith.index_cast %mul3A_150 : i32 to index
        %get3A_153 = tpu.vector_load %arg8[%get3A_151, %get3A_152] {strides = array<i32>} : memref<64x768xf32, #tpu.memory_space<vmem>>, vector<1x16xf32>,
        %get3A_154 = vector.shape_cast %get3A_153 : vector<1x16xf32> to vector<16xf32>
        %get3A_155 = arith.index_cast %scan3A_18 : i32 to index
        %get3A_156 = arith.index_cast %mul3A_150 : i32 to index
        %get3A_157 = tpu.vector_load %arg9[%get3A_155, %get3A_156] {strides = array<i32>} : memref<64x768xf32, #tpu.memory_space<vmem>>, vector<1x16xf32>,
        %get3A_158 = vector.shape_cast %get3A_157 : vector<1x16xf32> to vector<16xf32>
        %add3A_159 = arith.addf %get3A_154, %get3A_158 : vector<16xf32>
        %swap3A_160 = arith.index_cast %scan3A_18 : i32 to index
        %swap3A_161 = arith.index_cast %mul3A_150 : i32 to index
        %swap3A_162 = tpu.vector_load %arg8[%swap3A_160, %swap3A_161] {strides = array<i32>} : memref<64x768xf32, #tpu.memory_space<vmem>>, vector<1x16xf32>,
        %swap3A_163 = vector.shape_cast %swap3A_162 : vector<1x16xf32> to vector<16xf32>
        %swap3A_164 = vector.shape_cast %add3A_159 : vector<16xf32> to vector<1x16xf32>
        tpu.vector_store %arg8[%swap3A_160, %swap3A_161], %swap3A_164 {strides = array<i32>} : memref<64x768xf32, #tpu.memory_space<vmem>>, vector<1x16xf32>,
      }
      %scan3A_23 = arith.constant 48 : i32
    }
    %scan3A_17 = arith.constant 64 : i32
    "tpu.region"() ({
      %run_scoped3A = tpu.sem_alloc : memref<!tpu.dma_semaphore, #tpu.memory_space<semaphore_mem>>
      %dma_start3A_18 = arith.constant 0 : i32
      %dma_start3A_19 = tpu.memref_slice %arg5[%mul3A_2, %dma_start3A_18] : memref<2048x768xf32, #tpu.memory_space<hbm>> -> memref<64x768xf32, #tpu.memory_space<hbm>>
      %dma_start3A_20 = arith.constant 0 : i32
      %dma_start3A_21 = tpu.memref_slice %arg5[%mul3A_2, %dma_start3A_20] : memref<2048x768xf32, #tpu.memory_space<hbm>> -> memref<64x768xf32, #tpu.memory_space<hbm>>
      tpu.enqueue_dma source(%arg8 : memref<64x768xf32, #tpu.memory_space<vmem>>) target(%dma_start3A_21 : memref<64x768xf32, #tpu.memory_space<hbm>>) target_semaphore(%run_scoped3A : memref<!tpu.dma_semaphore, #tpu.memory_space<semaphore_mem>>)
      %dma_wait3A_22 = arith.constant 0 : i32
      %dma_wait3A_23 = tpu.memref_slice %arg5[%mul3A_2, %dma_wait3A_22] : memref<2048x768xf32, #tpu.memory_space<hbm>> -> memref<64x768xf32, #tpu.memory_space<hbm>>
      %dma_wait3A_24 = arith.constant 0 : i32
      %dma_wait3A_25 = tpu.memref_slice %arg5[%mul3A_2, %dma_wait3A_24] : memref<2048x768xf32, #tpu.memory_space<hbm>> -> memref<64x768xf32, #tpu.memory_space<hbm>>
      tpu.wait_dma2 semaphore(%run_scoped3A : memref<!tpu.dma_semaphore, #tpu.memory_space<semaphore_mem>>) src(%arg8 : memref<64x768xf32, #tpu.memory_space<vmem>>) dst(%dma_wait3A_25 : memref<64x768xf32, #tpu.memory_space<hbm>>)
      tpu.yield
    }) : () -> ()
    return
  }
}

module attributes {stable_mosaic.version = 14 : i64} {
  func.func @_router_body(%arg0: i32, %arg1: memref<2048x768xf32, #tpu.memory_space<vmem>>, %arg2: memref<8x768xf32, #tpu.memory_space<vmem>>, %arg3: memref<2048x1xi32, #tpu.memory_space<vmem>>, %arg4: memref<2048x1xi32, #tpu.memory_space<vmem>>, %arg5: memref<2048x128xf32, #tpu.memory_space<vmem>>, %arg6: memref<2048x128xf32, #tpu.memory_space<vmem>>, %arg7: memref<16x1xi32, #tpu.memory_space<vmem>>) attributes {dimension_semantics = [#tpu.dimension_semantics<arbitrary>], iteration_bounds = array<i64: 1>, scalar_prefetch = 0 : i64, scratch_operands = 0 : i64, tpu.core_type = #tpu.core_type<tc>, window_params = [{pipeline_mode = #tpu.pipeline_mode<synchronous>, transform_indices = @transform_0, window_bounds = array<i64: 2048, 768>}, {pipeline_mode = #tpu.pipeline_mode<synchronous>, transform_indices = @transform_1, window_bounds = array<i64: 8, 768>}, {pipeline_mode = #tpu.pipeline_mode<synchronous>, transform_indices = @transform_2, window_bounds = array<i64: 2048, 1>}, {pipeline_mode = #tpu.pipeline_mode<synchronous>, transform_indices = @transform_3, window_bounds = array<i64: 2048, 1>}, {pipeline_mode = #tpu.pipeline_mode<synchronous>, transform_indices = @transform_4, window_bounds = array<i64: 2048, 128>}, {pipeline_mode = #tpu.pipeline_mode<synchronous>, transform_indices = @transform_5, window_bounds = array<i64: 2048, 128>}, {pipeline_mode = #tpu.pipeline_mode<synchronous>, transform_indices = @transform_6, window_bounds = array<i64: 16, 1>}]} {
    %get3A = arith.constant 0 : index
    %get3A_0 = arith.constant 0 : index
    %get3A_1 = vector.load %arg1[%get3A, %get3A_0] : memref<2048x768xf32, #tpu.memory_space<vmem>>, vector<2048x768xf32>
    %get3A_2 = arith.constant 0 : index
    %get3A_3 = arith.constant 0 : index
    %get3A_4 = vector.load %arg2[%get3A_2, %get3A_3] : memref<8x768xf32, #tpu.memory_space<vmem>>, vector<8x768xf32>
    %dot_general3A = arith.constant dense<0.000000e+00> : vector<2048x8xf32>
    %dot_general3A_5 = tpu.matmul %get3A_1, %get3A_4, %dot_general3A {dimension_numbers = #tpu.dot_dimension_numbers<[1], [1], [0], [0], [0, 0, 1, 0], [], []>, transpose_lhs_hint = false} : vector<2048x768xf32>, vector<8x768xf32>, vector<2048x8xf32> -> vector<2048x8xf32>
    %reduce_max3A = arith.constant dense<0xFF800000> : vector<2048xf32>
    %reduce_max3A_6 = vector.multi_reduction <maximumf>, %dot_general3A_5, %reduce_max3A [1] : vector<2048x8xf32> to vector<2048xf32>
    %max3A = arith.constant 0xFF800000 : f32
    %max3A_7 = vector.broadcast %max3A : f32 to vector<2048xf32>
    %max3A_8 = arith.maximumf %max3A_7, %reduce_max3A_6 : vector<2048xf32>
    %broadcast_in_dim3A = vector.shape_cast %max3A_8 : vector<2048xf32> to vector<2048x1xf32>
    %sub3A = vector.broadcast %broadcast_in_dim3A : vector<2048x1xf32> to vector<2048x8xf32>
    %sub3A_9 = arith.subf %dot_general3A_5, %sub3A : vector<2048x8xf32>
    %exp3A = math.exp %sub3A_9 : vector<2048x8xf32>
    %reduce_sum3A = arith.constant dense<0.000000e+00> : vector<2048xf32>
    %reduce_sum3A_10 = vector.multi_reduction <add>, %exp3A, %reduce_sum3A [1] : vector<2048x8xf32> to vector<2048xf32>
    %broadcast_in_dim3A_11 = vector.shape_cast %reduce_sum3A_10 : vector<2048xf32> to vector<2048x1xf32>
    %div3A = vector.broadcast %broadcast_in_dim3A_11 : vector<2048x1xf32> to vector<2048x8xf32>
    %div3A_12 = arith.divf %exp3A, %div3A : vector<2048x8xf32>
    %iota3A = tpu.iota {dimensions = array<i32: 1>} : vector<2048x8xi32>
    %reduce_max3A_13 = arith.constant dense<0xFF800000> : vector<2048xf32>
    %reduce_max3A_14 = vector.multi_reduction <maximumf>, %div3A_12, %reduce_max3A_13 [1] : vector<2048x8xf32> to vector<2048xf32>
    %broadcast_in_dim3A_15 = vector.shape_cast %reduce_max3A_14 : vector<2048xf32> to vector<2048x1xf32>
    %eq3A = vector.broadcast %broadcast_in_dim3A_15 : vector<2048x1xf32> to vector<2048x8xf32>
    %eq3A_16 = arith.cmpf oeq, %div3A_12, %eq3A : vector<2048x8xf32>
    %jit3A = arith.constant 8 : i32
    %broadcast_in_dim3A_17 = vector.broadcast %jit3A : i32 to vector<2048x8xi32>
    %select_n3A = arith.select %eq3A_16, %iota3A, %broadcast_in_dim3A_17 : vector<2048x8xi1>, vector<2048x8xi32>
    %reduce_min3A = arith.constant dense<2147483647> : vector<2048xi32>
    %reduce_min3A_18 = vector.multi_reduction <minsi>, %select_n3A, %reduce_min3A [1] : vector<2048x8xi32> to vector<2048xi32>
    %broadcast_in_dim3A_19 = vector.shape_cast %reduce_min3A_18 : vector<2048xi32> to vector<2048x1xi32>
    %eq3A_20 = vector.broadcast %broadcast_in_dim3A_19 : vector<2048x1xi32> to vector<2048x8xi32>
    %eq3A_21 = arith.cmpi eq, %iota3A, %eq3A_20 : vector<2048x8xi32>
    %jit3A_22 = arith.constant -1.000000e+00 : f32
    %broadcast_in_dim3A_23 = vector.broadcast %jit3A_22 : f32 to vector<2048x8xf32>
    %select_n3A_24 = arith.select %eq3A_21, %broadcast_in_dim3A_23, %div3A_12 : vector<2048x8xi1>, vector<2048x8xf32>
    %reduce_max3A_25 = arith.constant dense<0xFF800000> : vector<2048xf32>
    %reduce_max3A_26 = vector.multi_reduction <maximumf>, %select_n3A_24, %reduce_max3A_25 [1] : vector<2048x8xf32> to vector<2048xf32>
    %broadcast_in_dim3A_27 = vector.shape_cast %reduce_max3A_26 : vector<2048xf32> to vector<2048x1xf32>
    %eq3A_28 = vector.broadcast %broadcast_in_dim3A_27 : vector<2048x1xf32> to vector<2048x8xf32>
    %eq3A_29 = arith.cmpf oeq, %select_n3A_24, %eq3A_28 : vector<2048x8xf32>
    %jit3A_30 = arith.constant 8 : i32
    %broadcast_in_dim3A_31 = vector.broadcast %jit3A_30 : i32 to vector<2048x8xi32>
    %select_n3A_32 = arith.select %eq3A_29, %iota3A, %broadcast_in_dim3A_31 : vector<2048x8xi1>, vector<2048x8xi32>
    %reduce_min3A_33 = arith.constant dense<2147483647> : vector<2048xi32>
    %reduce_min3A_34 = vector.multi_reduction <minsi>, %select_n3A_32, %reduce_min3A_33 [1] : vector<2048x8xi32> to vector<2048xi32>
    %add3A = arith.addf %reduce_max3A_14, %reduce_max3A_26 : vector<2048xf32>
    %div3A_35 = arith.divf %reduce_max3A_14, %add3A : vector<2048xf32>
    %div3A_36 = arith.divf %reduce_max3A_26, %add3A : vector<2048xf32>
    %broadcast_in_dim3A_37 = vector.shape_cast %reduce_min3A_18 : vector<2048xi32> to vector<2048x1xi32>
    %eq3A_38 = vector.broadcast %broadcast_in_dim3A_37 : vector<2048x1xi32> to vector<2048x8xi32>
    %eq3A_39 = arith.cmpi eq, %iota3A, %eq3A_38 : vector<2048x8xi32>
    %broadcast_in_dim3A_40 = vector.shape_cast %reduce_min3A_34 : vector<2048xi32> to vector<2048x1xi32>
    %eq3A_41 = vector.broadcast %broadcast_in_dim3A_40 : vector<2048x1xi32> to vector<2048x8xi32>
    %eq3A_42 = arith.cmpi eq, %iota3A, %eq3A_41 : vector<2048x8xi32>
    %or3A = arith.ori %eq3A_39, %eq3A_42 : vector<2048x8xi1>
    %convert_element_type3A = arith.extui %or3A : vector<2048x8xi1> to vector<2048x8xi32>
    %convert_element_type3A_43 = arith.sitofp %convert_element_type3A : vector<2048x8xi32> to vector<2048x8xf32>
    %broadcast_in_dim3A_44 = arith.constant 0.000000e+00 : f32
    %broadcast_in_dim3A_45 = vector.broadcast %broadcast_in_dim3A_44 : f32 to vector<1x8xf32>
    %slice3A = vector.extract_strided_slice %convert_element_type3A_43 {offsets = [0, 0], sizes = [2047, 8], strides = [1, 1]} : vector<2048x8xf32> to vector<2047x8xf32>
    %concatenate3A = tpu.concatenate %broadcast_in_dim3A_45, %slice3A in 0 : vector<1x8xf32>, vector<2047x8xf32> -> vector<2048x8xf32>
    %add3A_46 = arith.addf %convert_element_type3A_43, %concatenate3A : vector<2048x8xf32>
    %broadcast_in_dim3A_47 = arith.constant 0.000000e+00 : f32
    %broadcast_in_dim3A_48 = vector.broadcast %broadcast_in_dim3A_47 : f32 to vector<2x8xf32>
    %slice3A_49 = vector.extract_strided_slice %add3A_46 {offsets = [0, 0], sizes = [2046, 8], strides = [1, 1]} : vector<2048x8xf32> to vector<2046x8xf32>
    %concatenate3A_50 = tpu.concatenate %broadcast_in_dim3A_48, %slice3A_49 in 0 : vector<2x8xf32>, vector<2046x8xf32> -> vector<2048x8xf32>
    %add3A_51 = arith.addf %add3A_46, %concatenate3A_50 : vector<2048x8xf32>
    %broadcast_in_dim3A_52 = arith.constant 0.000000e+00 : f32
    %broadcast_in_dim3A_53 = vector.broadcast %broadcast_in_dim3A_52 : f32 to vector<4x8xf32>
    %slice3A_54 = vector.extract_strided_slice %add3A_51 {offsets = [0, 0], sizes = [2044, 8], strides = [1, 1]} : vector<2048x8xf32> to vector<2044x8xf32>
    %concatenate3A_55 = tpu.concatenate %broadcast_in_dim3A_53, %slice3A_54 in 0 : vector<4x8xf32>, vector<2044x8xf32> -> vector<2048x8xf32>
    %add3A_56 = arith.addf %add3A_51, %concatenate3A_55 : vector<2048x8xf32>
    %broadcast_in_dim3A_57 = arith.constant 0.000000e+00 : f32
    %broadcast_in_dim3A_58 = vector.broadcast %broadcast_in_dim3A_57 : f32 to vector<8x8xf32>
    %slice3A_59 = vector.extract_strided_slice %add3A_56 {offsets = [0, 0], sizes = [2040, 8], strides = [1, 1]} : vector<2048x8xf32> to vector<2040x8xf32>
    %concatenate3A_60 = tpu.concatenate %broadcast_in_dim3A_58, %slice3A_59 in 0 : vector<8x8xf32>, vector<2040x8xf32> -> vector<2048x8xf32>
    %add3A_61 = arith.addf %add3A_56, %concatenate3A_60 : vector<2048x8xf32>
    %broadcast_in_dim3A_62 = arith.constant 0.000000e+00 : f32
    %broadcast_in_dim3A_63 = vector.broadcast %broadcast_in_dim3A_62 : f32 to vector<16x8xf32>
    %slice3A_64 = vector.extract_strided_slice %add3A_61 {offsets = [0, 0], sizes = [2032, 8], strides = [1, 1]} : vector<2048x8xf32> to vector<2032x8xf32>
    %concatenate3A_65 = tpu.concatenate %broadcast_in_dim3A_63, %slice3A_64 in 0 : vector<16x8xf32>, vector<2032x8xf32> -> vector<2048x8xf32>
    %add3A_66 = arith.addf %add3A_61, %concatenate3A_65 : vector<2048x8xf32>
    %broadcast_in_dim3A_67 = arith.constant 0.000000e+00 : f32
    %broadcast_in_dim3A_68 = vector.broadcast %broadcast_in_dim3A_67 : f32 to vector<32x8xf32>
    %slice3A_69 = vector.extract_strided_slice %add3A_66 {offsets = [0, 0], sizes = [2016, 8], strides = [1, 1]} : vector<2048x8xf32> to vector<2016x8xf32>
    %concatenate3A_70 = tpu.concatenate %broadcast_in_dim3A_68, %slice3A_69 in 0 : vector<32x8xf32>, vector<2016x8xf32> -> vector<2048x8xf32>
    %add3A_71 = arith.addf %add3A_66, %concatenate3A_70 : vector<2048x8xf32>
    %broadcast_in_dim3A_72 = arith.constant 0.000000e+00 : f32
    %broadcast_in_dim3A_73 = vector.broadcast %broadcast_in_dim3A_72 : f32 to vector<64x8xf32>
    %slice3A_74 = vector.extract_strided_slice %add3A_71 {offsets = [0, 0], sizes = [1984, 8], strides = [1, 1]} : vector<2048x8xf32> to vector<1984x8xf32>
    %concatenate3A_75 = tpu.concatenate %broadcast_in_dim3A_73, %slice3A_74 in 0 : vector<64x8xf32>, vector<1984x8xf32> -> vector<2048x8xf32>
    %add3A_76 = arith.addf %add3A_71, %concatenate3A_75 : vector<2048x8xf32>
    %broadcast_in_dim3A_77 = arith.constant 0.000000e+00 : f32
    %broadcast_in_dim3A_78 = vector.broadcast %broadcast_in_dim3A_77 : f32 to vector<128x8xf32>
    %slice3A_79 = vector.extract_strided_slice %add3A_76 {offsets = [0, 0], sizes = [1920, 8], strides = [1, 1]} : vector<2048x8xf32> to vector<1920x8xf32>
    %concatenate3A_80 = tpu.concatenate %broadcast_in_dim3A_78, %slice3A_79 in 0 : vector<128x8xf32>, vector<1920x8xf32> -> vector<2048x8xf32>
    %add3A_81 = arith.addf %add3A_76, %concatenate3A_80 : vector<2048x8xf32>
    %broadcast_in_dim3A_82 = arith.constant 0.000000e+00 : f32
    %broadcast_in_dim3A_83 = vector.broadcast %broadcast_in_dim3A_82 : f32 to vector<256x8xf32>
    %slice3A_84 = vector.extract_strided_slice %add3A_81 {offsets = [0, 0], sizes = [1792, 8], strides = [1, 1]} : vector<2048x8xf32> to vector<1792x8xf32>
    %concatenate3A_85 = tpu.concatenate %broadcast_in_dim3A_83, %slice3A_84 in 0 : vector<256x8xf32>, vector<1792x8xf32> -> vector<2048x8xf32>
    %add3A_86 = arith.addf %add3A_81, %concatenate3A_85 : vector<2048x8xf32>
    %broadcast_in_dim3A_87 = arith.constant 0.000000e+00 : f32
    %broadcast_in_dim3A_88 = vector.broadcast %broadcast_in_dim3A_87 : f32 to vector<512x8xf32>
    %slice3A_89 = vector.extract_strided_slice %add3A_86 {offsets = [0, 0], sizes = [1536, 8], strides = [1, 1]} : vector<2048x8xf32> to vector<1536x8xf32>
    %concatenate3A_90 = tpu.concatenate %broadcast_in_dim3A_88, %slice3A_89 in 0 : vector<512x8xf32>, vector<1536x8xf32> -> vector<2048x8xf32>
    %add3A_91 = arith.addf %add3A_86, %concatenate3A_90 : vector<2048x8xf32>
    %broadcast_in_dim3A_92 = arith.constant 0.000000e+00 : f32
    %broadcast_in_dim3A_93 = vector.broadcast %broadcast_in_dim3A_92 : f32 to vector<1024x8xf32>
    %slice3A_94 = vector.extract_strided_slice %add3A_91 {offsets = [0, 0], sizes = [1024, 8], strides = [1, 1]} : vector<2048x8xf32> to vector<1024x8xf32>
    %concatenate3A_95 = tpu.concatenate %broadcast_in_dim3A_93, %slice3A_94 in 0 : vector<1024x8xf32>, vector<1024x8xf32> -> vector<2048x8xf32>
    %add3A_96 = arith.addf %add3A_91, %concatenate3A_95 : vector<2048x8xf32>
    %sub3A_97 = arith.subf %add3A_96, %convert_element_type3A_43 : vector<2048x8xf32>
    %slice3A_98 = vector.extract_strided_slice %add3A_96 {offsets = [2047, 0], sizes = [1, 8], strides = [1, 1]} : vector<2048x8xf32> to vector<1x8xf32>
    %squeeze3A = vector.shape_cast %slice3A_98 : vector<1x8xf32> to vector<8xf32>
    %iota3A_99 = tpu.iota {dimensions = array<i32: 0>} : vector<8x8xi32>
    %iota3A_100 = tpu.iota {dimensions = array<i32: 1>} : vector<8x8xi32>
    %lt3A = arith.cmpi slt, %iota3A_99, %iota3A_100 : vector<8x8xi32>
    %broadcast_in_dim3A_101 = vector.shape_cast %squeeze3A : vector<8xf32> to vector<8x1xf32>
    %jit3A_102 = arith.constant 0.000000e+00 : f32
    %broadcast_in_dim3A_103 = vector.shape_cast %broadcast_in_dim3A_101 : vector<8x1xf32> to vector<8x1xf32>
    %broadcast_in_dim3A_104 = vector.broadcast %broadcast_in_dim3A_103 : vector<8x1xf32> to vector<8x8xf32>
    %broadcast_in_dim3A_105 = vector.broadcast %jit3A_102 : f32 to vector<8x8xf32>
    %select_n3A_106 = arith.select %lt3A, %broadcast_in_dim3A_104, %broadcast_in_dim3A_105 : vector<8x8xi1>, vector<8x8xf32>
    %reduce_sum3A_107 = arith.constant dense<0.000000e+00> : vector<8xf32>
    %reduce_sum3A_108 = vector.multi_reduction <add>, %select_n3A_106, %reduce_sum3A_107 [0] : vector<8x8xf32> to vector<8xf32>
    %broadcast_in_dim3A_109 = vector.shape_cast %reduce_sum3A_108 : vector<8xf32> to vector<1x8xf32>
    %broadcast_in_dim3A_110 = vector.shape_cast %broadcast_in_dim3A_109 : vector<1x8xf32> to vector<1x8xf32>
    %broadcast_in_dim3A_111 = vector.broadcast %broadcast_in_dim3A_110 : vector<1x8xf32> to vector<2048x8xf32>
    %broadcast_in_dim3A_112 = vector.shape_cast %reduce_min3A_18 : vector<2048xi32> to vector<2048x1xi32>
    %eq3A_113 = vector.broadcast %broadcast_in_dim3A_112 : vector<2048x1xi32> to vector<2048x8xi32>
    %eq3A_114 = arith.cmpi eq, %iota3A, %eq3A_113 : vector<2048x8xi32>
    %jit3A_115 = arith.constant 0.000000e+00 : f32
    %broadcast_in_dim3A_116 = vector.broadcast %jit3A_115 : f32 to vector<2048x8xf32>
    %select_n3A_117 = arith.select %eq3A_114, %broadcast_in_dim3A_111, %broadcast_in_dim3A_116 : vector<2048x8xi1>, vector<2048x8xf32>
    %reduce_sum3A_118 = arith.constant dense<0.000000e+00> : vector<2048xf32>
    %reduce_sum3A_119 = vector.multi_reduction <add>, %select_n3A_117, %reduce_sum3A_118 [1] : vector<2048x8xf32> to vector<2048xf32>
    %broadcast_in_dim3A_120 = vector.shape_cast %reduce_min3A_18 : vector<2048xi32> to vector<2048x1xi32>
    %eq3A_121 = vector.broadcast %broadcast_in_dim3A_120 : vector<2048x1xi32> to vector<2048x8xi32>
    %eq3A_122 = arith.cmpi eq, %iota3A, %eq3A_121 : vector<2048x8xi32>
    %jit3A_123 = arith.constant 0.000000e+00 : f32
    %broadcast_in_dim3A_124 = vector.broadcast %jit3A_123 : f32 to vector<2048x8xf32>
    %select_n3A_125 = arith.select %eq3A_122, %sub3A_97, %broadcast_in_dim3A_124 : vector<2048x8xi1>, vector<2048x8xf32>
    %reduce_sum3A_126 = arith.constant dense<0.000000e+00> : vector<2048xf32>
    %reduce_sum3A_127 = vector.multi_reduction <add>, %select_n3A_125, %reduce_sum3A_126 [1] : vector<2048x8xf32> to vector<2048xf32>
    %add3A_128 = arith.addf %reduce_sum3A_119, %reduce_sum3A_127 : vector<2048xf32>
    %broadcast_in_dim3A_129 = vector.shape_cast %reduce_min3A_34 : vector<2048xi32> to vector<2048x1xi32>
    %eq3A_130 = vector.broadcast %broadcast_in_dim3A_129 : vector<2048x1xi32> to vector<2048x8xi32>
    %eq3A_131 = arith.cmpi eq, %iota3A, %eq3A_130 : vector<2048x8xi32>
    %jit3A_132 = arith.constant 0.000000e+00 : f32
    %broadcast_in_dim3A_133 = vector.broadcast %jit3A_132 : f32 to vector<2048x8xf32>
    %select_n3A_134 = arith.select %eq3A_131, %broadcast_in_dim3A_111, %broadcast_in_dim3A_133 : vector<2048x8xi1>, vector<2048x8xf32>
    %reduce_sum3A_135 = arith.constant dense<0.000000e+00> : vector<2048xf32>
    %reduce_sum3A_136 = vector.multi_reduction <add>, %select_n3A_134, %reduce_sum3A_135 [1] : vector<2048x8xf32> to vector<2048xf32>
    %broadcast_in_dim3A_137 = vector.shape_cast %reduce_min3A_34 : vector<2048xi32> to vector<2048x1xi32>
    %eq3A_138 = vector.broadcast %broadcast_in_dim3A_137 : vector<2048x1xi32> to vector<2048x8xi32>
    %eq3A_139 = arith.cmpi eq, %iota3A, %eq3A_138 : vector<2048x8xi32>
    %jit3A_140 = arith.constant 0.000000e+00 : f32
    %broadcast_in_dim3A_141 = vector.broadcast %jit3A_140 : f32 to vector<2048x8xf32>
    %select_n3A_142 = arith.select %eq3A_139, %sub3A_97, %broadcast_in_dim3A_141 : vector<2048x8xi1>, vector<2048x8xf32>
    %reduce_sum3A_143 = arith.constant dense<0.000000e+00> : vector<2048xf32>
    %reduce_sum3A_144 = vector.multi_reduction <add>, %select_n3A_142, %reduce_sum3A_143 [1] : vector<2048x8xf32> to vector<2048xf32>
    %add3A_145 = arith.addf %reduce_sum3A_136, %reduce_sum3A_144 : vector<2048xf32>
    %convert_element_type3A_146 = arith.fptosi %add3A_128 : vector<2048xf32> to vector<2048xi32>
    %broadcast_in_dim3A_147 = vector.shape_cast %convert_element_type3A_146 : vector<2048xi32> to vector<2048x1xi32>
    %swap3A = arith.constant 0 : index
    %swap3A_148 = arith.constant 0 : index
    %swap3A_149 = vector.load %arg3[%swap3A, %swap3A_148] : memref<2048x1xi32, #tpu.memory_space<vmem>>, vector<2048x1xi32>
    tpu.vector_store %arg3[%swap3A, %swap3A_148], %broadcast_in_dim3A_147 {strides = array<i32>} : memref<2048x1xi32, #tpu.memory_space<vmem>>, vector<2048x1xi32>,
    %convert_element_type3A_150 = arith.fptosi %add3A_145 : vector<2048xf32> to vector<2048xi32>
    %broadcast_in_dim3A_151 = vector.shape_cast %convert_element_type3A_150 : vector<2048xi32> to vector<2048x1xi32>
    %swap3A_152 = arith.constant 0 : index
    %swap3A_153 = arith.constant 0 : index
    %swap3A_154 = vector.load %arg4[%swap3A_152, %swap3A_153] : memref<2048x1xi32, #tpu.memory_space<vmem>>, vector<2048x1xi32>
    tpu.vector_store %arg4[%swap3A_152, %swap3A_153], %broadcast_in_dim3A_151 {strides = array<i32>} : memref<2048x1xi32, #tpu.memory_space<vmem>>, vector<2048x1xi32>,
    %broadcast_in_dim3A_155 = vector.shape_cast %div3A_35 : vector<2048xf32> to vector<2048x1xf32>
    %broadcast_in_dim3A_156 = vector.shape_cast %broadcast_in_dim3A_155 : vector<2048x1xf32> to vector<2048x1xf32>
    %broadcast_in_dim3A_157 = vector.broadcast %broadcast_in_dim3A_156 : vector<2048x1xf32> to vector<2048x128xf32>
    %swap3A_158 = arith.constant 0 : index
    %swap3A_159 = arith.constant 0 : index
    %swap3A_160 = vector.load %arg5[%swap3A_158, %swap3A_159] : memref<2048x128xf32, #tpu.memory_space<vmem>>, vector<2048x128xf32>
    tpu.vector_store %arg5[%swap3A_158, %swap3A_159], %broadcast_in_dim3A_157 {strides = array<i32>} : memref<2048x128xf32, #tpu.memory_space<vmem>>, vector<2048x128xf32>,
    %broadcast_in_dim3A_161 = vector.shape_cast %div3A_36 : vector<2048xf32> to vector<2048x1xf32>
    %broadcast_in_dim3A_162 = vector.shape_cast %broadcast_in_dim3A_161 : vector<2048x1xf32> to vector<2048x1xf32>
    %broadcast_in_dim3A_163 = vector.broadcast %broadcast_in_dim3A_162 : vector<2048x1xf32> to vector<2048x128xf32>
    %swap3A_164 = arith.constant 0 : index
    %swap3A_165 = arith.constant 0 : index
    %swap3A_166 = vector.load %arg6[%swap3A_164, %swap3A_165] : memref<2048x128xf32, #tpu.memory_space<vmem>>, vector<2048x128xf32>
    tpu.vector_store %arg6[%swap3A_164, %swap3A_165], %broadcast_in_dim3A_163 {strides = array<i32>} : memref<2048x128xf32, #tpu.memory_space<vmem>>, vector<2048x128xf32>,
    %broadcast_in_dim3A_167 = arith.constant 4.096000e+03 : f32
    %broadcast_in_dim3A_168 = vector.broadcast %broadcast_in_dim3A_167 : f32 to vector<8xf32>
    %concatenate3A_169 = tpu.concatenate %reduce_sum3A_108, %broadcast_in_dim3A_168 in 0 : vector<8xf32>, vector<8xf32> -> vector<16xf32>
    %convert_element_type3A_170 = arith.fptosi %concatenate3A_169 : vector<16xf32> to vector<16xi32>
    %broadcast_in_dim3A_171 = vector.shape_cast %convert_element_type3A_170 : vector<16xi32> to vector<16x1xi32>
    %swap3A_172 = arith.constant 0 : index
    %swap3A_173 = arith.constant 0 : index
    %swap3A_174 = vector.load %arg7[%swap3A_172, %swap3A_173] : memref<16x1xi32, #tpu.memory_space<vmem>>, vector<16x1xi32>
    tpu.vector_store %arg7[%swap3A_172, %swap3A_173], %broadcast_in_dim3A_171 {strides = array<i32>} : memref<16x1xi32, #tpu.memory_space<vmem>>, vector<16x1xi32>,
    return
  }
  func.func @transform_0(%arg0: i32) -> (i32, i32) {
    %c0_i32 = arith.constant 0 : i32
    %c0_i32_0 = arith.constant 0 : i32
    %c0_i32_1 = arith.constant 0 : i32
    return %c0_i32, %c0_i32_0 : i32, i32
  }
  func.func @transform_1(%arg0: i32) -> (i32, i32) {
    %c0_i32 = arith.constant 0 : i32
    %c0_i32_0 = arith.constant 0 : i32
    %c0_i32_1 = arith.constant 0 : i32
    return %c0_i32, %c0_i32_0 : i32, i32
  }
  func.func @transform_2(%arg0: i32) -> (i32, i32) {
    %c0_i32 = arith.constant 0 : i32
    %c0_i32_0 = arith.constant 0 : i32
    %c0_i32_1 = arith.constant 0 : i32
    return %c0_i32, %c0_i32_0 : i32, i32
  }
  func.func @transform_3(%arg0: i32) -> (i32, i32) {
    %c0_i32 = arith.constant 0 : i32
    %c0_i32_0 = arith.constant 0 : i32
    %c0_i32_1 = arith.constant 0 : i32
    return %c0_i32, %c0_i32_0 : i32, i32
  }
  func.func @transform_4(%arg0: i32) -> (i32, i32) {
    %c0_i32 = arith.constant 0 : i32
    %c0_i32_0 = arith.constant 0 : i32
    %c0_i32_1 = arith.constant 0 : i32
    return %c0_i32, %c0_i32_0 : i32, i32
  }
  func.func @transform_5(%arg0: i32) -> (i32, i32) {
    %c0_i32 = arith.constant 0 : i32
    %c0_i32_0 = arith.constant 0 : i32
    %c0_i32_1 = arith.constant 0 : i32
    return %c0_i32, %c0_i32_0 : i32, i32
  }
  func.func @transform_6(%arg0: i32) -> (i32, i32) {
    %c0_i32 = arith.constant 0 : i32
    %c0_i32_0 = arith.constant 0 : i32
    %c0_i32_1 = arith.constant 0 : i32
    return %c0_i32, %c0_i32_0 : i32, i32
  }
}

module attributes {stable_mosaic.version = 14 : i64} {
  func.func @_expert_body(%arg0: i32, %arg1: memref<39xi32, #tpu.memory_space<smem>>, %arg2: memref<39xi32, #tpu.memory_space<smem>>, %arg3: memref<16xi32, #tpu.memory_space<smem>>, %arg4: memref<39xi32, #tpu.memory_space<smem>>, %arg5: memref<39xi32, #tpu.memory_space<smem>>, %arg6: memref<9xi32, #tpu.memory_space<smem>>, %arg7: memref<1xi32, #tpu.memory_space<smem>>, %arg8: memref<128x768xf32, #tpu.memory_space<vmem>>, %arg9: memref<8x2048x768xf32, #tpu.memory_space<hbm>>, %arg10: memref<8x2048x768xf32, #tpu.memory_space<hbm>>, %arg11: memref<8x768x2048xf32, #tpu.memory_space<hbm>>, %arg12: memref<1x128x128xf32, #tpu.memory_space<vmem>>, %arg13: memref<128x768xf32, #tpu.memory_space<vmem>>, %arg14: memref<2x2048x768xf32, #tpu.memory_space<vmem>>, %arg15: memref<2x2048x768xf32, #tpu.memory_space<vmem>>, %arg16: memref<2x768x2048xf32, #tpu.memory_space<vmem>>, %arg17: memref<2x3x!tpu.dma_semaphore, #tpu.memory_space<semaphore_mem>>) attributes {dimension_semantics = [#tpu.dimension_semantics<arbitrary>], iteration_bounds = array<i64: 39>, scalar_prefetch = 7 : i64, scratch_operands = 4 : i64, tpu.core_type = #tpu.core_type<tc>, window_params = [{transform_indices = @transform_0, window_bounds = array<i64: 128, 768>}, {}, {}, {}, {transform_indices = @transform_4, window_bounds = array<i64: 1, 128, 128>}, {transform_indices = @transform_5, window_bounds = array<i64: 128, 768>}]} {
    %get3A = arith.index_cast %arg0 : i32 to index
    %get3A_0 = memref.load %arg2[%get3A] : memref<39xi32, #tpu.memory_space<smem>>
    %get3A_1 = arith.index_cast %arg0 : i32 to index
    %get3A_2 = memref.load %arg1[%get3A_1] : memref<39xi32, #tpu.memory_space<smem>>
    %get3A_3 = arith.index_cast %arg0 : i32 to index
    %get3A_4 = memref.load %arg4[%get3A_3] : memref<39xi32, #tpu.memory_space<smem>>
    %rem3A = arith.constant 2 : i32
    %rem3A_5 = arith.remsi %get3A_4, %rem3A : i32
    %eq3A = arith.constant 0 : i32
    %eq3A_6 = arith.cmpi eq, %arg0, %eq3A : i32
    %convert_element_type3A = arith.extui %eq3A_6 : i1 to i32
    %cond3A = arith.constant 0 : i32
    %cond3A_7 = arith.cmpi ne, %convert_element_type3A, %cond3A : i32
    scf.if %cond3A_7 {
      %get3A_68 = arith.constant 0 : index
      %get3A_69 = memref.load %arg6[%get3A_68] : memref<9xi32, #tpu.memory_space<smem>>
      %dma_start3A = arith.constant 0 : i32
      %dma_start3A_70 = arith.constant 0 : i32
      %dma_start3A_71 = arith.constant 0 : i32
      %dma_start3A_72 = tpu.memref_slice %arg17[%dma_start3A_70, %dma_start3A_71] : memref<2x3x!tpu.dma_semaphore, #tpu.memory_space<semaphore_mem>> -> memref<1x1x!tpu.dma_semaphore, #tpu.memory_space<semaphore_mem>>
      %dma_start3A_73 = tpu.memref_squeeze %dma_start3A_72 : memref<1x1x!tpu.dma_semaphore, #tpu.memory_space<semaphore_mem>> -> memref<!tpu.dma_semaphore, #tpu.memory_space<semaphore_mem>>
      %dma_start3A_74 = arith.constant 0 : i32
      %dma_start3A_75 = arith.constant 0 : i32
      %dma_start3A_76 = tpu.memref_slice %arg14[%dma_start3A, %dma_start3A_74, %dma_start3A_75] : memref<2x2048x768xf32, #tpu.memory_space<vmem>> -> memref<1x2048x768xf32, #tpu.memory_space<vmem>>
      %dma_start3A_77 = tpu.memref_squeeze %dma_start3A_76 : memref<1x2048x768xf32, #tpu.memory_space<vmem>> -> memref<2048x768xf32, #tpu.memory_space<vmem>>
      %dma_start3A_78 = arith.constant 0 : i32
      %dma_start3A_79 = arith.constant 0 : i32
      %dma_start3A_80 = tpu.memref_slice %arg9[%get3A_69, %dma_start3A_78, %dma_start3A_79] : memref<8x2048x768xf32, #tpu.memory_space<hbm>> -> memref<1x2048x768xf32, #tpu.memory_space<hbm>>
      %dma_start3A_81 = tpu.memref_squeeze %dma_start3A_80 : memref<1x2048x768xf32, #tpu.memory_space<hbm>> -> memref<2048x768xf32, #tpu.memory_space<hbm>>
      tpu.enqueue_dma source(%dma_start3A_81 : memref<2048x768xf32, #tpu.memory_space<hbm>>) target(%dma_start3A_77 : memref<2048x768xf32, #tpu.memory_space<vmem>>) target_semaphore(%dma_start3A_73 : memref<!tpu.dma_semaphore, #tpu.memory_space<semaphore_mem>>)
      %dma_start3A_82 = arith.constant 0 : i32
      %dma_start3A_83 = arith.constant 0 : i32
      %dma_start3A_84 = arith.constant 1 : i32
      %dma_start3A_85 = tpu.memref_slice %arg17[%dma_start3A_83, %dma_start3A_84] : memref<2x3x!tpu.dma_semaphore, #tpu.memory_space<semaphore_mem>> -> memref<1x1x!tpu.dma_semaphore, #tpu.memory_space<semaphore_mem>>
      %dma_start3A_86 = tpu.memref_squeeze %dma_start3A_85 : memref<1x1x!tpu.dma_semaphore, #tpu.memory_space<semaphore_mem>> -> memref<!tpu.dma_semaphore, #tpu.memory_space<semaphore_mem>>
      %dma_start3A_87 = arith.constant 0 : i32
      %dma_start3A_88 = arith.constant 0 : i32
      %dma_start3A_89 = tpu.memref_slice %arg15[%dma_start3A_82, %dma_start3A_87, %dma_start3A_88] : memref<2x2048x768xf32, #tpu.memory_space<vmem>> -> memref<1x2048x768xf32, #tpu.memory_space<vmem>>
      %dma_start3A_90 = tpu.memref_squeeze %dma_start3A_89 : memref<1x2048x768xf32, #tpu.memory_space<vmem>> -> memref<2048x768xf32, #tpu.memory_space<vmem>>
      %dma_start3A_91 = arith.constant 0 : i32
      %dma_start3A_92 = arith.constant 0 : i32
      %dma_start3A_93 = tpu.memref_slice %arg10[%get3A_69, %dma_start3A_91, %dma_start3A_92] : memref<8x2048x768xf32, #tpu.memory_space<hbm>> -> memref<1x2048x768xf32, #tpu.memory_space<hbm>>
      %dma_start3A_94 = tpu.memref_squeeze %dma_start3A_93 : memref<1x2048x768xf32, #tpu.memory_space<hbm>> -> memref<2048x768xf32, #tpu.memory_space<hbm>>
      tpu.enqueue_dma source(%dma_start3A_94 : memref<2048x768xf32, #tpu.memory_space<hbm>>) target(%dma_start3A_90 : memref<2048x768xf32, #tpu.memory_space<vmem>>) target_semaphore(%dma_start3A_86 : memref<!tpu.dma_semaphore, #tpu.memory_space<semaphore_mem>>)
      %dma_start3A_95 = arith.constant 0 : i32
      %dma_start3A_96 = arith.constant 0 : i32
      %dma_start3A_97 = arith.constant 2 : i32
      %dma_start3A_98 = tpu.memref_slice %arg17[%dma_start3A_96, %dma_start3A_97] : memref<2x3x!tpu.dma_semaphore, #tpu.memory_space<semaphore_mem>> -> memref<1x1x!tpu.dma_semaphore, #tpu.memory_space<semaphore_mem>>
      %dma_start3A_99 = tpu.memref_squeeze %dma_start3A_98 : memref<1x1x!tpu.dma_semaphore, #tpu.memory_space<semaphore_mem>> -> memref<!tpu.dma_semaphore, #tpu.memory_space<semaphore_mem>>
      %dma_start3A_100 = arith.constant 0 : i32
      %dma_start3A_101 = arith.constant 0 : i32
      %dma_start3A_102 = tpu.memref_slice %arg16[%dma_start3A_95, %dma_start3A_100, %dma_start3A_101] : memref<2x768x2048xf32, #tpu.memory_space<vmem>> -> memref<1x768x2048xf32, #tpu.memory_space<vmem>>
      %dma_start3A_103 = tpu.memref_squeeze %dma_start3A_102 : memref<1x768x2048xf32, #tpu.memory_space<vmem>> -> memref<768x2048xf32, #tpu.memory_space<vmem>>
      %dma_start3A_104 = arith.constant 0 : i32
      %dma_start3A_105 = arith.constant 0 : i32
      %dma_start3A_106 = tpu.memref_slice %arg11[%get3A_69, %dma_start3A_104, %dma_start3A_105] : memref<8x768x2048xf32, #tpu.memory_space<hbm>> -> memref<1x768x2048xf32, #tpu.memory_space<hbm>>
      %dma_start3A_107 = tpu.memref_squeeze %dma_start3A_106 : memref<1x768x2048xf32, #tpu.memory_space<hbm>> -> memref<768x2048xf32, #tpu.memory_space<hbm>>
      tpu.enqueue_dma source(%dma_start3A_107 : memref<768x2048xf32, #tpu.memory_space<hbm>>) target(%dma_start3A_103 : memref<768x2048xf32, #tpu.memory_space<vmem>>) target_semaphore(%dma_start3A_99 : memref<!tpu.dma_semaphore, #tpu.memory_space<semaphore_mem>>)
    } else {
    }
    %get3A_8 = arith.index_cast %arg0 : i32 to index
    %get3A_9 = memref.load %arg5[%get3A_8] : memref<39xi32, #tpu.memory_space<smem>>
    %eq3A_10 = arith.constant 1 : i32
    %eq3A_11 = arith.cmpi eq, %get3A_9, %eq3A_10 : i32
    %convert_element_type3A_12 = arith.extui %eq3A_11 : i1 to i32
    %cond3A_13 = arith.constant 0 : i32
    %cond3A_14 = arith.cmpi ne, %convert_element_type3A_12, %cond3A_13 : i32
    scf.if %cond3A_14 {
      %dma_wait3A = arith.constant 0 : i32
      %dma_wait3A_68 = tpu.memref_slice %arg17[%rem3A_5, %dma_wait3A] : memref<2x3x!tpu.dma_semaphore, #tpu.memory_space<semaphore_mem>> -> memref<1x1x!tpu.dma_semaphore, #tpu.memory_space<semaphore_mem>>
      %dma_wait3A_69 = tpu.memref_squeeze %dma_wait3A_68 : memref<1x1x!tpu.dma_semaphore, #tpu.memory_space<semaphore_mem>> -> memref<!tpu.dma_semaphore, #tpu.memory_space<semaphore_mem>>
      %dma_wait3A_70 = arith.constant 0 : i32
      %dma_wait3A_71 = arith.constant 0 : i32
      %dma_wait3A_72 = tpu.memref_slice %arg14[%rem3A_5, %dma_wait3A_70, %dma_wait3A_71] : memref<2x2048x768xf32, #tpu.memory_space<vmem>> -> memref<1x2048x768xf32, #tpu.memory_space<vmem>>
      %dma_wait3A_73 = tpu.memref_squeeze %dma_wait3A_72 : memref<1x2048x768xf32, #tpu.memory_space<vmem>> -> memref<2048x768xf32, #tpu.memory_space<vmem>>
      %dma_wait3A_74 = arith.constant 0 : i32
      %dma_wait3A_75 = arith.constant 0 : i32
      %dma_wait3A_76 = tpu.memref_slice %arg9[%get3A_0, %dma_wait3A_74, %dma_wait3A_75] : memref<8x2048x768xf32, #tpu.memory_space<hbm>> -> memref<1x2048x768xf32, #tpu.memory_space<hbm>>
      %dma_wait3A_77 = tpu.memref_squeeze %dma_wait3A_76 : memref<1x2048x768xf32, #tpu.memory_space<hbm>> -> memref<2048x768xf32, #tpu.memory_space<hbm>>
      tpu.wait_dma2 semaphore(%dma_wait3A_69 : memref<!tpu.dma_semaphore, #tpu.memory_space<semaphore_mem>>) src(%dma_wait3A_77 : memref<2048x768xf32, #tpu.memory_space<hbm>>) dst(%dma_wait3A_73 : memref<2048x768xf32, #tpu.memory_space<vmem>>)
      %dma_wait3A_78 = arith.constant 1 : i32
      %dma_wait3A_79 = tpu.memref_slice %arg17[%rem3A_5, %dma_wait3A_78] : memref<2x3x!tpu.dma_semaphore, #tpu.memory_space<semaphore_mem>> -> memref<1x1x!tpu.dma_semaphore, #tpu.memory_space<semaphore_mem>>
      %dma_wait3A_80 = tpu.memref_squeeze %dma_wait3A_79 : memref<1x1x!tpu.dma_semaphore, #tpu.memory_space<semaphore_mem>> -> memref<!tpu.dma_semaphore, #tpu.memory_space<semaphore_mem>>
      %dma_wait3A_81 = arith.constant 0 : i32
      %dma_wait3A_82 = arith.constant 0 : i32
      %dma_wait3A_83 = tpu.memref_slice %arg15[%rem3A_5, %dma_wait3A_81, %dma_wait3A_82] : memref<2x2048x768xf32, #tpu.memory_space<vmem>> -> memref<1x2048x768xf32, #tpu.memory_space<vmem>>
      %dma_wait3A_84 = tpu.memref_squeeze %dma_wait3A_83 : memref<1x2048x768xf32, #tpu.memory_space<vmem>> -> memref<2048x768xf32, #tpu.memory_space<vmem>>
      %dma_wait3A_85 = arith.constant 0 : i32
      %dma_wait3A_86 = arith.constant 0 : i32
      %dma_wait3A_87 = tpu.memref_slice %arg10[%get3A_0, %dma_wait3A_85, %dma_wait3A_86] : memref<8x2048x768xf32, #tpu.memory_space<hbm>> -> memref<1x2048x768xf32, #tpu.memory_space<hbm>>
      %dma_wait3A_88 = tpu.memref_squeeze %dma_wait3A_87 : memref<1x2048x768xf32, #tpu.memory_space<hbm>> -> memref<2048x768xf32, #tpu.memory_space<hbm>>
      tpu.wait_dma2 semaphore(%dma_wait3A_80 : memref<!tpu.dma_semaphore, #tpu.memory_space<semaphore_mem>>) src(%dma_wait3A_88 : memref<2048x768xf32, #tpu.memory_space<hbm>>) dst(%dma_wait3A_84 : memref<2048x768xf32, #tpu.memory_space<vmem>>)
      %dma_wait3A_89 = arith.constant 2 : i32
      %dma_wait3A_90 = tpu.memref_slice %arg17[%rem3A_5, %dma_wait3A_89] : memref<2x3x!tpu.dma_semaphore, #tpu.memory_space<semaphore_mem>> -> memref<1x1x!tpu.dma_semaphore, #tpu.memory_space<semaphore_mem>>
      %dma_wait3A_91 = tpu.memref_squeeze %dma_wait3A_90 : memref<1x1x!tpu.dma_semaphore, #tpu.memory_space<semaphore_mem>> -> memref<!tpu.dma_semaphore, #tpu.memory_space<semaphore_mem>>
      %dma_wait3A_92 = arith.constant 0 : i32
      %dma_wait3A_93 = arith.constant 0 : i32
      %dma_wait3A_94 = tpu.memref_slice %arg16[%rem3A_5, %dma_wait3A_92, %dma_wait3A_93] : memref<2x768x2048xf32, #tpu.memory_space<vmem>> -> memref<1x768x2048xf32, #tpu.memory_space<vmem>>
      %dma_wait3A_95 = tpu.memref_squeeze %dma_wait3A_94 : memref<1x768x2048xf32, #tpu.memory_space<vmem>> -> memref<768x2048xf32, #tpu.memory_space<vmem>>
      %dma_wait3A_96 = arith.constant 0 : i32
      %dma_wait3A_97 = arith.constant 0 : i32
      %dma_wait3A_98 = tpu.memref_slice %arg11[%get3A_0, %dma_wait3A_96, %dma_wait3A_97] : memref<8x768x2048xf32, #tpu.memory_space<hbm>> -> memref<1x768x2048xf32, #tpu.memory_space<hbm>>
      %dma_wait3A_99 = tpu.memref_squeeze %dma_wait3A_98 : memref<1x768x2048xf32, #tpu.memory_space<hbm>> -> memref<768x2048xf32, #tpu.memory_space<hbm>>
      tpu.wait_dma2 semaphore(%dma_wait3A_91 : memref<!tpu.dma_semaphore, #tpu.memory_space<semaphore_mem>>) src(%dma_wait3A_99 : memref<768x2048xf32, #tpu.memory_space<hbm>>) dst(%dma_wait3A_95 : memref<768x2048xf32, #tpu.memory_space<vmem>>)
      %add3A_100 = arith.constant 1 : i32
      %add3A_101 = arith.addi %get3A_4, %add3A_100 : i32
      %get3A_102 = arith.constant 0 : index
      %get3A_103 = memref.load %arg7[%get3A_102] : memref<1xi32, #tpu.memory_space<smem>>
      %lt3A_104 = arith.cmpi slt, %add3A_101, %get3A_103 : i32
      %convert_element_type3A_105 = arith.extui %lt3A_104 : i1 to i32
      %cond3A_106 = arith.constant 0 : i32
      %cond3A_107 = arith.cmpi ne, %convert_element_type3A_105, %cond3A_106 : i32
      scf.if %cond3A_107 {
        %add3A_108 = arith.constant 1 : i32
        %add3A_109 = arith.addi %get3A_4, %add3A_108 : i32
        %sub3A = arith.constant 1 : i32
        %sub3A_110 = arith.subi %sub3A, %rem3A_5 : i32
        %get3A_111 = arith.index_cast %add3A_109 : i32 to index
        %get3A_112 = memref.load %arg6[%get3A_111] : memref<9xi32, #tpu.memory_space<smem>>
        %dma_start3A = arith.constant 0 : i32
        %dma_start3A_113 = tpu.memref_slice %arg17[%sub3A_110, %dma_start3A] : memref<2x3x!tpu.dma_semaphore, #tpu.memory_space<semaphore_mem>> -> memref<1x1x!tpu.dma_semaphore, #tpu.memory_space<semaphore_mem>>
        %dma_start3A_114 = tpu.memref_squeeze %dma_start3A_113 : memref<1x1x!tpu.dma_semaphore, #tpu.memory_space<semaphore_mem>> -> memref<!tpu.dma_semaphore, #tpu.memory_space<semaphore_mem>>
        %dma_start3A_115 = arith.constant 0 : i32
        %dma_start3A_116 = arith.constant 0 : i32
        %dma_start3A_117 = tpu.memref_slice %arg14[%sub3A_110, %dma_start3A_115, %dma_start3A_116] : memref<2x2048x768xf32, #tpu.memory_space<vmem>> -> memref<1x2048x768xf32, #tpu.memory_space<vmem>>
        %dma_start3A_118 = tpu.memref_squeeze %dma_start3A_117 : memref<1x2048x768xf32, #tpu.memory_space<vmem>> -> memref<2048x768xf32, #tpu.memory_space<vmem>>
        %dma_start3A_119 = arith.constant 0 : i32
        %dma_start3A_120 = arith.constant 0 : i32
        %dma_start3A_121 = tpu.memref_slice %arg9[%get3A_112, %dma_start3A_119, %dma_start3A_120] : memref<8x2048x768xf32, #tpu.memory_space<hbm>> -> memref<1x2048x768xf32, #tpu.memory_space<hbm>>
        %dma_start3A_122 = tpu.memref_squeeze %dma_start3A_121 : memref<1x2048x768xf32, #tpu.memory_space<hbm>> -> memref<2048x768xf32, #tpu.memory_space<hbm>>
        tpu.enqueue_dma source(%dma_start3A_122 : memref<2048x768xf32, #tpu.memory_space<hbm>>) target(%dma_start3A_118 : memref<2048x768xf32, #tpu.memory_space<vmem>>) target_semaphore(%dma_start3A_114 : memref<!tpu.dma_semaphore, #tpu.memory_space<semaphore_mem>>)
        %dma_start3A_123 = arith.constant 1 : i32
        %dma_start3A_124 = tpu.memref_slice %arg17[%sub3A_110, %dma_start3A_123] : memref<2x3x!tpu.dma_semaphore, #tpu.memory_space<semaphore_mem>> -> memref<1x1x!tpu.dma_semaphore, #tpu.memory_space<semaphore_mem>>
        %dma_start3A_125 = tpu.memref_squeeze %dma_start3A_124 : memref<1x1x!tpu.dma_semaphore, #tpu.memory_space<semaphore_mem>> -> memref<!tpu.dma_semaphore, #tpu.memory_space<semaphore_mem>>
        %dma_start3A_126 = arith.constant 0 : i32
        %dma_start3A_127 = arith.constant 0 : i32
        %dma_start3A_128 = tpu.memref_slice %arg15[%sub3A_110, %dma_start3A_126, %dma_start3A_127] : memref<2x2048x768xf32, #tpu.memory_space<vmem>> -> memref<1x2048x768xf32, #tpu.memory_space<vmem>>
        %dma_start3A_129 = tpu.memref_squeeze %dma_start3A_128 : memref<1x2048x768xf32, #tpu.memory_space<vmem>> -> memref<2048x768xf32, #tpu.memory_space<vmem>>
        %dma_start3A_130 = arith.constant 0 : i32
        %dma_start3A_131 = arith.constant 0 : i32
        %dma_start3A_132 = tpu.memref_slice %arg10[%get3A_112, %dma_start3A_130, %dma_start3A_131] : memref<8x2048x768xf32, #tpu.memory_space<hbm>> -> memref<1x2048x768xf32, #tpu.memory_space<hbm>>
        %dma_start3A_133 = tpu.memref_squeeze %dma_start3A_132 : memref<1x2048x768xf32, #tpu.memory_space<hbm>> -> memref<2048x768xf32, #tpu.memory_space<hbm>>
        tpu.enqueue_dma source(%dma_start3A_133 : memref<2048x768xf32, #tpu.memory_space<hbm>>) target(%dma_start3A_129 : memref<2048x768xf32, #tpu.memory_space<vmem>>) target_semaphore(%dma_start3A_125 : memref<!tpu.dma_semaphore, #tpu.memory_space<semaphore_mem>>)
        %dma_start3A_134 = arith.constant 2 : i32
        %dma_start3A_135 = tpu.memref_slice %arg17[%sub3A_110, %dma_start3A_134] : memref<2x3x!tpu.dma_semaphore, #tpu.memory_space<semaphore_mem>> -> memref<1x1x!tpu.dma_semaphore, #tpu.memory_space<semaphore_mem>>
        %dma_start3A_136 = tpu.memref_squeeze %dma_start3A_135 : memref<1x1x!tpu.dma_semaphore, #tpu.memory_space<semaphore_mem>> -> memref<!tpu.dma_semaphore, #tpu.memory_space<semaphore_mem>>
        %dma_start3A_137 = arith.constant 0 : i32
        %dma_start3A_138 = arith.constant 0 : i32
        %dma_start3A_139 = tpu.memref_slice %arg16[%sub3A_110, %dma_start3A_137, %dma_start3A_138] : memref<2x768x2048xf32, #tpu.memory_space<vmem>> -> memref<1x768x2048xf32, #tpu.memory_space<vmem>>
        %dma_start3A_140 = tpu.memref_squeeze %dma_start3A_139 : memref<1x768x2048xf32, #tpu.memory_space<vmem>> -> memref<768x2048xf32, #tpu.memory_space<vmem>>
        %dma_start3A_141 = arith.constant 0 : i32
        %dma_start3A_142 = arith.constant 0 : i32
        %dma_start3A_143 = tpu.memref_slice %arg11[%get3A_112, %dma_start3A_141, %dma_start3A_142] : memref<8x768x2048xf32, #tpu.memory_space<hbm>> -> memref<1x768x2048xf32, #tpu.memory_space<hbm>>
        %dma_start3A_144 = tpu.memref_squeeze %dma_start3A_143 : memref<1x768x2048xf32, #tpu.memory_space<hbm>> -> memref<768x2048xf32, #tpu.memory_space<hbm>>
        tpu.enqueue_dma source(%dma_start3A_144 : memref<768x2048xf32, #tpu.memory_space<hbm>>) target(%dma_start3A_140 : memref<768x2048xf32, #tpu.memory_space<vmem>>) target_semaphore(%dma_start3A_136 : memref<!tpu.dma_semaphore, #tpu.memory_space<semaphore_mem>>)
      } else {
      }
    } else {
    }
    %get3A_15 = arith.index_cast %get3A_0 : i32 to index
    %get3A_16 = memref.load %arg3[%get3A_15] : memref<16xi32, #tpu.memory_space<smem>>
    %add3A = arith.constant 1 : i32
    %add3A_17 = arith.addi %get3A_0, %add3A : i32
    %get3A_18 = arith.index_cast %add3A_17 : i32 to index
    %get3A_19 = memref.load %arg3[%get3A_18] : memref<16xi32, #tpu.memory_space<smem>>
    %get3A_20 = arith.constant 0 : index
    %get3A_21 = arith.constant 0 : index
    %get3A_22 = vector.load %arg8[%get3A_20, %get3A_21] : memref<128x768xf32, #tpu.memory_space<vmem>>, vector<128x768xf32>
    %get3A_23 = arith.index_cast %rem3A_5 : i32 to index
    %get3A_24 = arith.constant 0 : index
    %get3A_25 = arith.constant 0 : index
    %get3A_26 = vector.load %arg14[%get3A_23, %get3A_24, %get3A_25] : memref<2x2048x768xf32, #tpu.memory_space<vmem>>, vector<1x2048x768xf32>
    %get3A_27 = vector.shape_cast %get3A_26 : vector<1x2048x768xf32> to vector<2048x768xf32>
    %dot_general3A = arith.constant dense<0.000000e+00> : vector<128x2048xf32>
    %dot_general3A_28 = tpu.matmul %get3A_22, %get3A_27, %dot_general3A {dimension_numbers = #tpu.dot_dimension_numbers<[1], [1], [0], [0], [0, 0, 1, 0], [], []>, transpose_lhs_hint = false} : vector<128x768xf32>, vector<2048x768xf32>, vector<128x2048xf32> -> vector<128x2048xf32>
    %get3A_29 = arith.index_cast %rem3A_5 : i32 to index
    %get3A_30 = arith.constant 0 : index
    %get3A_31 = arith.constant 0 : index
    %get3A_32 = vector.load %arg15[%get3A_29, %get3A_30, %get3A_31] : memref<2x2048x768xf32, #tpu.memory_space<vmem>>, vector<1x2048x768xf32>
    %get3A_33 = vector.shape_cast %get3A_32 : vector<1x2048x768xf32> to vector<2048x768xf32>
    %dot_general3A_34 = arith.constant dense<0.000000e+00> : vector<128x2048xf32>
    %dot_general3A_35 = tpu.matmul %get3A_22, %get3A_33, %dot_general3A_34 {dimension_numbers = #tpu.dot_dimension_numbers<[1], [1], [0], [0], [0, 0, 1, 0], [], []>, transpose_lhs_hint = false} : vector<128x768xf32>, vector<2048x768xf32>, vector<128x2048xf32> -> vector<128x2048xf32>
    %logistic3A = arith.negf %dot_general3A_28 : vector<128x2048xf32>
    %logistic3A_36 = math.exp %logistic3A : vector<128x2048xf32>
    %logistic3A_37 = arith.constant 1.000000e+00 : f32
    %logistic3A_38 = vector.broadcast %logistic3A_37 : f32 to vector<128x2048xf32>
    %logistic3A_39 = arith.addf %logistic3A_38, %logistic3A_36 : vector<128x2048xf32>
    %logistic3A_40 = arith.divf %logistic3A_38, %logistic3A_39 : vector<128x2048xf32>
    %mul3A = arith.mulf %dot_general3A_28, %logistic3A_40 : vector<128x2048xf32>
    %mul3A_41 = arith.mulf %mul3A, %dot_general3A_35 : vector<128x2048xf32>
    %get3A_42 = arith.index_cast %rem3A_5 : i32 to index
    %get3A_43 = arith.constant 0 : index
    %get3A_44 = arith.constant 0 : index
    %get3A_45 = vector.load %arg16[%get3A_42, %get3A_43, %get3A_44] : memref<2x768x2048xf32, #tpu.memory_space<vmem>>, vector<1x768x2048xf32>
    %get3A_46 = vector.shape_cast %get3A_45 : vector<1x768x2048xf32> to vector<768x2048xf32>
    %dot_general3A_47 = arith.constant dense<0.000000e+00> : vector<128x768xf32>
    %dot_general3A_48 = tpu.matmul %mul3A_41, %get3A_46, %dot_general3A_47 {dimension_numbers = #tpu.dot_dimension_numbers<[1], [1], [0], [0], [0, 0, 1, 0], [], []>, transpose_lhs_hint = false} : vector<128x2048xf32>, vector<768x2048xf32>, vector<128x768xf32> -> vector<128x768xf32>
    %get3A_49 = arith.constant 0 : index
    %get3A_50 = arith.constant 0 : index
    %get3A_51 = arith.constant 0 : index
    %get3A_52 = vector.load %arg12[%get3A_49, %get3A_50, %get3A_51] : memref<1x128x128xf32, #tpu.memory_space<vmem>>, vector<1x128x128xf32>
    %get3A_53 = vector.shape_cast %get3A_52 : vector<1x128x128xf32> to vector<128x128xf32>
    %slice3A = vector.extract_strided_slice %get3A_53 {offsets = [0, 0], sizes = [128, 1], strides = [1, 1]} : vector<128x128xf32> to vector<128x1xf32>
    %mul3A_54 = vector.broadcast %slice3A : vector<128x1xf32> to vector<128x768xf32>
    %mul3A_55 = arith.mulf %dot_general3A_48, %mul3A_54 : vector<128x768xf32>
    %mul3A_56 = arith.constant 128 : i32
    %mul3A_57 = arith.muli %get3A_2, %mul3A_56 : i32
    %iota3A = tpu.iota {dimensions = array<i32: 0>} : vector<128x1xi32>
    %add3A_58 = vector.broadcast %mul3A_57 : i32 to vector<128x1xi32>
    %add3A_59 = arith.addi %add3A_58, %iota3A : vector<128x1xi32>
    %ge3A = vector.broadcast %get3A_16 : i32 to vector<128x1xi32>
    %ge3A_60 = arith.cmpi sge, %add3A_59, %ge3A : vector<128x1xi32>
    %lt3A = vector.broadcast %get3A_19 : i32 to vector<128x1xi32>
    %lt3A_61 = arith.cmpi slt, %add3A_59, %lt3A : vector<128x1xi32>
    %and3A = arith.andi %ge3A_60, %lt3A_61 : vector<128x1xi1>
    %get3A_62 = arith.constant 0 : index
    %get3A_63 = arith.constant 0 : index
    %get3A_64 = vector.load %arg13[%get3A_62, %get3A_63] : memref<128x768xf32, #tpu.memory_space<vmem>>, vector<128x768xf32>
    %broadcast_in_dim3A = vector.shape_cast %and3A : vector<128x1xi1> to vector<128x1xi1>
    %broadcast_in_dim3A_65 = vector.broadcast %broadcast_in_dim3A : vector<128x1xi1> to vector<128x768xi1>
    %select_n3A = arith.select %broadcast_in_dim3A_65, %mul3A_55, %get3A_64 : vector<128x768xi1>, vector<128x768xf32>
    %swap3A = arith.constant 0 : index
    %swap3A_66 = arith.constant 0 : index
    %swap3A_67 = vector.load %arg13[%swap3A, %swap3A_66] : memref<128x768xf32, #tpu.memory_space<vmem>>, vector<128x768xf32>
    tpu.vector_store %arg13[%swap3A, %swap3A_66], %select_n3A {strides = array<i32>} : memref<128x768xf32, #tpu.memory_space<vmem>>, vector<128x768xf32>,
    return
  }
  func.func @transform_0(%arg0: i32, %arg1: memref<39xi32, #tpu.memory_space<smem>>, %arg2: memref<39xi32, #tpu.memory_space<smem>>, %arg3: memref<16xi32, #tpu.memory_space<smem>>, %arg4: memref<39xi32, #tpu.memory_space<smem>>, %arg5: memref<39xi32, #tpu.memory_space<smem>>, %arg6: memref<9xi32, #tpu.memory_space<smem>>, %arg7: memref<1xi32, #tpu.memory_space<smem>>) -> (i32, i32) {
    %get3A = arith.index_cast %arg0 : i32 to index
    %get3A_0 = memref.load %arg1[%get3A] : memref<39xi32, #tpu.memory_space<smem>>
    %c0_i32 = arith.constant 0 : i32
    %c0_i32_1 = arith.constant 0 : i32
    return %get3A_0, %c0_i32 : i32, i32
  }
  func.func @transform_4(%arg0: i32, %arg1: memref<39xi32, #tpu.memory_space<smem>>, %arg2: memref<39xi32, #tpu.memory_space<smem>>, %arg3: memref<16xi32, #tpu.memory_space<smem>>, %arg4: memref<39xi32, #tpu.memory_space<smem>>, %arg5: memref<39xi32, #tpu.memory_space<smem>>, %arg6: memref<9xi32, #tpu.memory_space<smem>>, %arg7: memref<1xi32, #tpu.memory_space<smem>>) -> (i32, i32, i32) {
    %get3A = arith.index_cast %arg0 : i32 to index
    %get3A_0 = memref.load %arg1[%get3A] : memref<39xi32, #tpu.memory_space<smem>>
    %c0_i32 = arith.constant 0 : i32
    %c0_i32_1 = arith.constant 0 : i32
    %c0_i32_2 = arith.constant 0 : i32
    return %get3A_0, %c0_i32, %c0_i32_1 : i32, i32, i32
  }
  func.func @transform_5(%arg0: i32, %arg1: memref<39xi32, #tpu.memory_space<smem>>, %arg2: memref<39xi32, #tpu.memory_space<smem>>, %arg3: memref<16xi32, #tpu.memory_space<smem>>, %arg4: memref<39xi32, #tpu.memory_space<smem>>, %arg5: memref<39xi32, #tpu.memory_space<smem>>, %arg6: memref<9xi32, #tpu.memory_space<smem>>, %arg7: memref<1xi32, #tpu.memory_space<smem>>) -> (i32, i32) {
    %get3A = arith.index_cast %arg0 : i32 to index
    %get3A_0 = memref.load %arg1[%get3A] : memref<39xi32, #tpu.memory_space<smem>>
    %c0_i32 = arith.constant 0 : i32
    %c0_i32_1 = arith.constant 0 : i32
    return %get3A_0, %c0_i32 : i32, i32
  }
}

</mosaic_0001>

<sc_bundles>
// kernel: kernel.6.cloned.1.call-start
scs
__scs_entry_jumppad:
0x0: {  	(pc) =	sbr.rel $0x88, $3  }
0x1: {  	(tag) =	ssettag $0x0;
	lr =	simm.s32 $0x1  }
0x2: {  	[smem:$0x3F9C] =	sst lr;
	_ =	strace $0xD0000000  }
0x3: {  	_ = 	snop  }
0x4: {  	_ = 	snop  }
0x5: {  	_ = 	snop  }
0x6: {  	_ = 	snop  }
0x7: {  	_ = 	snop  }
__scs_overlays_trampoline_lowered:
0x8: {  	[smem:$0x3FAB] =	sst s0  }
0x9: {  	[smem:$0x3FAC] =	sst s1  }
0xa: {  	[smem:$0x3FAD] =	sst s2  }
0xb: {  	[smem:$0x3FAE] =	sst s3  }
0xc: {  	[smem:$0x3FAF] =	sst s4  }
0xd: {  	[smem:$0x3FB0] =	sst s5  }
0xe: {  	[smem:$0x3FB1] =	sst s6  }
0xf: {  	[smem:$0x3FB2] =	sst s7  }
0x10: {  	[smem:$0x3FB3] =	sst s8  }
0x11: {  	[smem:$0x3FB4] =	sst s9;
	s0 =	simm.s32 @!p0 $0x0  }
0x12: {  	s1 =	sld [smem:$0x3F9A];
	s0 =	simm.s32 @p0 $0x1  }
0x13: {  	[smem:$0x3FB5] =	sst s0;
	s0 =	simm.s32 @!p1 $0x0  }
0x14: {  	s2 =	sld [smem:$0x3F99];
	s0 =	simm.s32 @p1 $0x1  }
0x15: {  	[smem:$0x3FB6] =	sst s0;
	s0 =	simm.s32 @!p2 $0x0  }
0x16: {  	s3 =	sld [smem:$0x3FDB];
	s0 =	simm.s32 @p2 $0x1  }
0x17: {  	s4 =	simm.s32 $0x1BF5;
	[smem:$0x3FB8] =	sst s0  }
0x18: {  	s0 =	sld [smem:$0x3F9B];
	_ =	swait.ge [sflag:s4], $0x0  }
0x19: {  	s7 =	sld [smem:$0x3F9C]  }
0x1a: {  	s8 =	sadd.s32 $0xFFFFE003, lr  }
0x1b: {  	s9 =	sadd.s32 $0xFFFFFEF7, lr;
	s5 =	simm.s32 $0xFFFFFFFF;
	p2 =	slt.u32 s8, $0xFFFFF086  }
0x1c: {  	p1 =	slt.u32 s9, $0xF7A;
	s5 =	simm.s32 @!p2 $0x0  }
0x1d: {  	s5 =	simm.s32 @p1 $0x1;
	p0 =	seq.s32 s7, s2  }
0x1e: {  	s7 =	smul.u32 @!p0 $0xF7A, s2;
	p2 =	seq.s32 @!p0 s5, $0x0  }
0x1f: {  	s9 =	smul.u32 $0xF7A, s1;
	s8 =	simm.s32 @!p0 $0x1BF5;
	p2 =	por !p2, p0  }
0x20: {  	[sflag:s8] =	ssyncset.s32 @!p0 $0xFFFFF086;
	s6 =	sadd.s32 @!p0 s3, s7;
	s7 =	simm.s32 @!p0 $0x108  }
0x21: {  	s3 =	sadd.s32 s3, s9;
	s6 =	sadd.s32 @!p0 $0x88, s6;
	s7 =	simm.s32 @p2 $0x1082  }
0x22: {  	[simem:s7], [sflag:s8] =	dma.local @!p0 [hbm:s6], $0xF7A  }
0x23: {  	s9 =	sor.u32 $0xD0000000, s2;
	s6 =	simm.s32 $0x108;
	_ =	swait.ge @!p0 [sflag:s8], $0x0  }
0x24: {  	s3 =	sadd.s32 $0x88, s3;
	s6 =	simm.s32 @!p1 $0x1082;
	[sflag:s4] =	ssyncset.s32 $0xFFFFF086  }
0x25: {  	[simem:s6], [sflag:s4] =	dma.local [hbm:s3], $0xF7A  }
0x26: {  	[smem:$0x3F9C] =	sst s1;
	(tag) =	ssettag s2;
	_ =	strace s9  }
0x27: {  	s1 =	sld [smem:$0x3FAC]  }
0x28: {  	s2 =	sld [smem:$0x3FAD]  }
0x29: {  	s4 =	sld [smem:$0x3FAF]  }
0x2a: {  	p0 =	seq.s32 s5, $0x0;
	s5 =	sld [smem:$0x3FB0]  }
0x2b: {  	s6 =	sld [smem:$0x3FB1]  }
0x2c: {  	s7 =	sld [smem:$0x3FB2]  }
0x2d: {  	s3 =	simm.s32 $0x108;
	s8 =	sld [smem:$0x3FB3]  }
0x2e: {  	s3 =	simm.s32 @!p0 $0x1082;
	s9 =	sld [smem:$0x3FB4]  }
0x2f: {  	lr =	sadd.s32 s0, s3;
	s0 =	sld [smem:$0x3FAB]  }
0x30: {  	s3 =	sld [smem:$0x3FAE]  }
0x31: {  	[smem:$0x3FB7] =	sst s10  }
0x32: {  	s10 =	sld [smem:$0x3FB5];
	_ =	sdelay $0x3  }
0x33: {  	p0 =	seq.s32 s10, $0x1;
	s10 =	sld [smem:$0x3FB7];
	_ =	sdelay $0x3  }
0x34: {  	[smem:$0x3FB7] =	sst s10  }
0x35: {  	s10 =	sld [smem:$0x3FB6];
	_ =	sdelay $0x3  }
0x36: {  	p1 =	seq.s32 s10, $0x1;
	s10 =	sld [smem:$0x3FB7];
	_ =	sdelay $0x3  }
0x37: {  	[smem:$0x3FB7] =	sst s10  }
0x38: {  	s10 =	sld [smem:$0x3FB8]  }
0x39: {  	_ = 	snop;
	(pc) =	sbr.ind lr, $3  }
0x3a: {  	_ = 	snop  }
0x3b: {  	_ = 	snop  }
0x3c: {  	p2 =	seq.s32 s10, $0x1;
	s10 =	sld [smem:$0x3FB7]  }
0x3d: {  	_ =	shalt  }
0x3e: {  	_ =	shalt  }
0x3f: {  	_ =	shalt  }
0x40: {  	_ =	shalt  }
0x41: {  	_ =	shalt  }
0x42: {  	_ =	shalt  }
0x43: {  	_ =	shalt  }
0x44: {  	_ =	shalt  }
0x45: {  	_ =	shalt  }
0x46: {  	_ =	shalt  }
0x47: {  	_ =	shalt  }
0x48: {  	_ =	shalt  }
0x49: {  	_ =	shalt  }
0x4a: {  	_ =	shalt  }
0x4b: {  	_ =	shalt  }
0x4c: {  	_ =	shalt  }
0x4d: {  	_ =	shalt  }
0x4e: {  	_ =	shalt  }
0x4f: {  	_ =	shalt  }
0x50: {  	_ =	shalt  }
0x51: {  	_ =	shalt  }
0x52: {  	_ =	shalt  }
0x53: {  	_ =	shalt  }
0x54: {  	_ =	shalt  }
0x55: {  	_ =	shalt  }
0x56: {  	_ =	shalt  }
0x57: {  	_ =	shalt  }
0x58: {  	_ =	shalt  }
0x59: {  	_ =	shalt  }
0x5a: {  	_ =	shalt  }
0x5b: {  	_ =	shalt  }
0x5c: {  	_ =	shalt  }
0x5d: {  	_ =	shalt  }
0x5e: {  	_ =	shalt  }
0x5f: {  	_ =	shalt  }
0x60: {  	_ =	shalt  }
0x61: {  	_ =	shalt  }
0x62: {  	_ =	shalt  }
0x63: {  	_ =	shalt  }
0x64: {  	_ =	shalt  }
0x65: {  	_ =	shalt  }
0x66: {  	_ =	shalt  }
0x67: {  	_ =	shalt  }
0x68: {  	_ =	shalt  }
0x69: {  	_ =	shalt  }
0x6a: {  	_ =	shalt  }
0x6b: {  	_ =	shalt  }
0x6c: {  	_ =	shalt  }
0x6d: {  	_ =	shalt  }
0x6e: {  	_ =	shalt  }
0x6f: {  	_ =	shalt  }
0x70: {  	_ =	shalt  }
0x71: {  	_ =	shalt  }
0x72: {  	_ =	shalt  }
0x73: {  	_ =	shalt  }
0x74: {  	_ =	shalt  }
0x75: {  	_ =	shalt  }
0x76: {  	_ =	shalt  }
0x77: {  	_ =	shalt  }
0x78: {  	_ =	shalt  }
0x79: {  	_ =	shalt  }
0x7a: {  	_ =	shalt  }
0x7b: {  	_ =	shalt  }
0x7c: {  	_ =	shalt  }
0x7d: {  	_ =	shalt  }
0x7e: {  	_ =	shalt  }
0x7f: {  	_ =	shalt  }
0x80: {  	_ =	shalt  }
0x81: {  	_ =	shalt  }
0x82: {  	_ =	shalt  }
0x83: {  	_ =	shalt  }
0x84: {  	_ =	shalt  }
0x85: {  	_ =	shalt  }
0x86: {  	_ =	shalt  }
0x87: {  	_ =	shalt  }
.Lfunc_end0:
.L_simem_size_0:
called_computation_lowered:
.L_overlay_start_0:
0x88: {  	s2 =	sld [smem:$0x3FD9]  }
0x89: {  	s3 =	sld [smem:$0x3FFE];
	_ =	sdelay $0x1  }
0x8a: {  	s1 =	srdreg.scid  }
0x8b: {  	s0 =	sand.u32 $0x1, s1  }
0x8c: {  	s17 =	sshll.u32 s0, $0xA;
	s2 =	sadd.s32 s3, s2  }
0x8d: {  	s2 =	sadd.s32 s2, s17  }
0x8e: {  	[smem:$0x3FC3] =	sst s2  }
0x8f: {  	_ = 	snop  }
0x90: {  	s2 =	sld [smem:$0x3FC9]  }
0x91: {  	s18 =	sld [smem:$0x3FD0];
	(tm) =	ssettm $0x1  }
0x92: {  	s4 =	sld [smem:$0x3FFB];
	_ =	sdelay $0x3  }
0x93: {  	_ =	strace s4  }
0x94: {  	s4 =	sld [smem:$0x3FFC];
	_ =	sdelay $0x3  }
0x95: {  	_ =	strace s4  }
0x96: {  	s4 =	sld [smem:$0x3FFD];
	_ =	sdelay $0x3  }
0x97: {  	_ =	strace s4  }
0x98: {  	_ =	strace $0x8FFFFFFF  }
0x99: {  	s19 =	sld [smem:$0x3FDB];
	_ =	sdelay $0x1  }
0x9a: {  	s5 =	simm.s32 $_scs_section_size  }
0x9b: {  	s6 =	simm.s32 $_size__tile_overlayer_lowered;
	s7 =	simm.s32 $_tile_overlayer_lowered  }
0x9c: {  	s22 =	simm.s32 $0x1BFF;
	s21 =	sshll.u32 s7, $0x1;
	s4 =	sadd.s32 s5, s19  }
0x9d: {  	s8 =	simm.s32 $0x0;
	s20 =	sshll.u32 s6, $0x1;
	s6 =	sadd.s32 s21, s4  }
0x9e: {  	[timem:s8], [sflag:s22] =	dma.local [hbm:s6], s20  }
0x9f: {  	_ =	swait.ge [sflag:s22], s20  }
0xa0: {  	s5 =	ssub.s32 $0x0, s20;
	[sflag:s22] =	ssyncset.done $0x0  }
0xa1: {  	[sflag:s22] =	ssyncadd.s32 s5;
	_ =	sdelay $0x1  }
0xa2: {  	s23 =	simm.s32 $0x1B8B  }
0xa3: {  	_ =	swait.ge [sflag:s23], $0x1  }
0xa4: {  	[sflag:s23] =	ssyncset.done $0x0  }
0xa5: {  	s25 =	simm.s32 $0x1B8E;
	s24 =	sld [smem:$0x3FFE];
	[sflag:s23] =	ssyncadd.s32 $0xFFFFFFFF  }
0xa6: {  	s26 =	simm.s32 $execute0_lowered;
	[smem:$0x3FD2] =	sst s25  }
0xa7: {  	s6 =	sshll.u32 s26, $0x1;
	_ =	strace $0x80000046;
	[dreg:$0x1] =	wrdreg $0xFFFFFFFF  }
0xa8: {  	s28 =	simm.s32 $_size_execute0_lowered;
	s4 =	sadd.s32 s4, s6;
	[dreg:$0x0] =	wrdreg $0x0  }
0xa9: {  	s6 =	sshll.u32 s28, $0x1;
	[dreg:$0x2] =	wrdreg s4  }
0xaa: {  	[dreg:$0x3] =	wrdreg s6  }
0xab: {  	[dreg:$0x4] =	wrdreg $0xC0  }
0xac: {  	_ =	task [dreg:s8], $0x5FFFF  }
0xad: {  	[dreg:$0x1] =	wrdreg $0xFFFFFFFF  }
0xae: {  	[dreg:$0x0] =	wrdreg $0x60  }
0xaf: {  	[dreg:$0x2] =	wrdreg s2  }
0xb0: {  	[dreg:$0x3] =	wrdreg s24  }
0xb1: {  	[dreg:$0x4] =	wrdreg s18  }
0xb2: {  	[dreg:$0x5] =	wrdreg $0x9  }
0xb3: {  	_ =	task.clear_ibuf [dreg:s8], $0x6FFFF;
	_ =	strace $0x90000046  }
0xb4: {  	s29 =	simm.s32 $0x9;
	_ =	strace $0x80000048  }
0xb5: {  	_ =	swait.ge [sflag:s29], $0x1  }
0xb6: {  	[sflag:s29] =	ssyncadd.s32 $0xFFFFFFFF  }
0xb7: {  	_ =	strace $0x90000048  }
0xb8: {  	_ =	sfence  }
0xb9: {  	s30 =	sld [smem:$0x0];
	_ =	sdelay $0x2  }
0xba: {  	s31 =	sshll.u32 s1, $0xD;
	s1 =	sshrl.u32 s1, $0x2  }
0xbb: {  	s3 =	sand.u32 $0x4000, s31;
	s1 =	sadd.s32 s1, s30  }
0xbc: {  	s0 =	sor.u32 s3, s0;
	s1 =	sshll.u32 s1, $0x11  }
0xbd: {  	s0 =	sor.u32 s1, s0  }
0xbe: {  	s0 =	sadd.s32 $0x8F2B, s0  }
0xbf: {  	[sflag:s0] =	ssyncadd.remote.s32 $0x1  }
0xc0: {  	_ =	sfence.sel $0xFFFF  }
0xc1: {  	[dreg:$0x0] =	wrdreg $0xFFFFFFFF;
	(pc) =	sbr.abs _section_cstart, $3  }
0xc2: {  	[dreg:$0x1] =	wrdreg $0xFFFFFFFF  }
0xc3: {  	_ =	task.clear_ibuf [dreg:s8], $0x2FFFF;
	_ =	strace $0x9FFFFFFF  }
0xc4: {  	(tm) =	ssettm $0x7FFFFFFF  }
0xc5: {  	_ =	shalt  }
tec
execute0_lowered:
.L_overlay_start_1:
0x0: {  	(tag) =	ssettag $0x1  }
0x1: {  	s0 =	srdreg.scid;
	s1 =	rddreg [dreg:$0x0]  }
0x2: {  	s3 =	stileid.u32;
	s2 =	rddreg [dreg:$0x1]  }
0x3: {  	s9 =	simm.s32 $0x5;
	s20 =	simm.s32 $0xC100;
	s21 =	simm.s32 $0xE100  }
0x4: {  	s28 =	simm.s32 $0x3800;
	s29 =	simm.s32 $0x4000;
	s30 =	simm.s32 $0x4800  }
0x5: {  	s31 =	simm.s32 $0x5000;
	s10 =	simm.s32 $0x7800;
	s11 =	simm.s32 $0x8000  }
0x6: {  	s12 =	simm.s32 $0x8800;
	s13 =	simm.s32 $0x9000;
	s14 =	simm.s32 $0x9800  }
0x7: {  	s15 =	simm.s32 $0xA000;
	s16 =	simm.s32 $0xA800;
	s18 =	simm.s32 $0xB000  }
0x8: {  	s19 =	simm.s32 $0xB800;
	s0 =	sand.u32 $0x1, s0;
	s3 =	sshll.u32 s3, $0x7  }
0x9: {  	s7 =	sadd.s32 $0x10600, s2;
	s4 =	sshll.u32 s0, $0x6;
	s0 =	ssub.s32 $0x2, s0  }
0xa: {  	s4 =	sor.u32 s4, s3;
	s3 =	simm.s32 $0x0;
	s25 =	sshrl.u32 s0, $0x1  }
0xb: {  	s5 =	sshrl.u32 s4, $0x3;
	[smem:$0x7FF] =	sst s3;
	s4 =	sshll.u32 s4, $0x4  }
0xc: {  	s0 =	ssub.s32 s0, s25;
	s25 =	simm.s32 $0x2800;
	s6 =	smul.u32 $0x300, s5  }
0xd: {  	_ =	strace $0x80000047;
	s5 =	sadd.s32 s5, s2;
	s24 =	sadd.s32 s2, s4  }
0xe: {  	s8 =	smax.u32 s0, $0x1;
	s22 =	sadd.s32 $0x10000, s5;
	[dreg:$0x8] =	wrdreg s24  }
0xf: {  	s4 =	simm.s32 $0x7000;
	s23 =	sadd.s32 $0x10200, s5;
	[dreg:$0x5] =	wrdreg s22  }
0x10: {  	s26 =	sadd.s32 $0x8000, s24;
	s5 =	sadd.s32 $0x10400, s2;
	[dreg:$0x6] =	wrdreg s23  }
0x11: {  	v2 =	vlaneseq.u32;
	s24 =	simm.s32 $0x2000;
	s1 =	sadd.s32 s1, s6;
	[dreg:$0x7] =	wrdreg s26  }
0x12: {  	vm0 =	vmmov $0xffff;
	v1 =	vshrl.u32 v2, $0x3;
	s6 =	sadd.s32 $0x10500, s2;
	s22 =	simm.s32 $0x1000;
	s23 =	simm.s32 $0x1800  }
0x13: {  	v0 =	vand.u32 $0x7, v2;
	v2 =	vor.u32 $0x8, v2;
	v1 =	vmul.u32 $0x8, v1;
	s26 =	simm.s32 $0x3000;
	s2 =	simm.s32 $0x6800;
	[dreg:$0x4] =	wrdreg s1  }
.LBB2_1:
0x14: {  	s17 =	rddreg [dreg:$0x4]  }
0x15: {  	[tilespmem:s3], [sflag:$0x5] =	stream.linear.gather [hbm4b:s17+s3], $0xC000, $0x38;
	[tilespmem:$0x10100] =	vst v63  }
0x16: {  	_ =	swait.ge [sflag:s9], $0xC000  }
0x17: {  	[sflag:s9] =	ssyncset.done $0x0  }
0x18: {  	s0 =	simm.s32 $0xC000;
	s1 =	rddreg [dreg:$0x5];
	[sflag:s9] =	ssyncadd.s32 $0xFFFF4000  }
0x19: {  	[tilespmem:s0], [sflag:$0x5] =	stream.linear.gather [hbm4b:s1+s3], $0x40, $0x38;
	[tilespmem:$0x10100] =	vst v63  }
0x1a: {  	_ =	swait.ge [sflag:s9], $0x40  }
0x1b: {  	[sflag:s9] =	ssyncset.done $0x0  }
0x1c: {  	s1 =	simm.s32 $0xC080;
	s0 =	rddreg [dreg:$0x6];
	[sflag:s9] =	ssyncadd.s32 $0xFFFFFFC0  }
0x1d: {  	[tilespmem:s1], [sflag:$0x5] =	stream.linear.gather [hbm4b:s0+s3], $0x40, $0x38;
	[tilespmem:$0x10100] =	vst v63  }
0x1e: {  	_ =	swait.ge [sflag:s9], $0x40  }
0x1f: {  	[sflag:s9] =	ssyncset.done $0x0  }
0x20: {  	s1 =	rddreg [dreg:$0x8];
	[sflag:s9] =	ssyncadd.s32 $0xFFFFFFC0  }
0x21: {  	[tilespmem:s20], [sflag:$0x5] =	stream.linear.gather [hbm4b:s1+s3], $0x2000, $0x38;
	[tilespmem:$0x10100] =	vst v63  }
0x22: {  	_ =	swait.ge [sflag:s9], $0x2000  }
0x23: {  	[sflag:s9] =	ssyncset.done $0x0  }
0x24: {  	s0 =	rddreg [dreg:$0x7];
	[sflag:s9] =	ssyncadd.s32 $0xFFFFE000  }
0x25: {  	[tilespmem:s21], [sflag:$0x5] =	stream.linear.gather [hbm4b:s0+s3], $0x2000, $0x38;
	[tilespmem:$0x10100] =	vst v63  }
0x26: {  	_ =	swait.ge [sflag:s9], $0x2000  }
0x27: {  	[sflag:s9] =	ssyncset.done $0x0  }
0x28: {  	[sflag:s9] =	ssyncadd.s32 $0xFFFFE000  }
0x29: {  	v3 =	vld [tilespmem:$0xC000];
	_ =	sdelay $0x4  }
0x2a: {  	v4 =	vshrl.u32 v3, $0x3  }
0x2b: {  	v4 =	vmul.u32 $0x30, v4  }
0x2c: {  	v3 =	vand.u32 $0x7, v3  }
0x2d: {  	v3 =	vor.u32 v3, v4  }
0x2e: {  	v4 =	vperm.xlane v3, v0;
	_ =	sdelay $0x1  }
0x2f: {  	v4 =	vadd.s32 v1, v4;
	_ =	sdelay $0x3  }
0x30: {  	v3 =	vperm.xlane v3, v2  }
0x31: {  	[hbm4b:s5+s3] =	stream.indirect_vreg.scatter [tilespmem:s3], [sflag:$0x1], $0x80, v4, vm0, $0xb8;
	[tilespmem:$0x10100] =	vst v63  }
0x32: {  	s17 =	simm.s32 $0x800;
	v3 =	vadd.s32 v1, v3  }
0x33: {  	[hbm4b:s6+s3] =	stream.indirect_vreg.scatter [tilespmem:s17], [sflag:$0x1], $0x80, v4, vm0, $0xb8;
	[tilespmem:$0x10100] =	vst v63  }
0x34: {  	_ = 	snop  }
0x35: {  	[hbm4b:s7+s3] =	stream.indirect_vreg.scatter [tilespmem:s22], [sflag:$0x1], $0x80, v4, vm0, $0xb8;
	[tilespmem:$0x10100] =	vst v63  }
0x36: {  	_ = 	snop  }
0x37: {  	[hbm4b:s5+s3] =	stream.indirect_vreg.scatter [tilespmem:s23], [sflag:$0x1], $0x80, v3, vm0, $0xb8;
	[tilespmem:$0x10100] =	vst v63  }
0x38: {  	_ = 	snop  }
0x39: {  	[hbm4b:s6+s3] =	stream.indirect_vreg.scatter [tilespmem:s24], [sflag:$0x1], $0x80, v3, vm0, $0xb8;
	[tilespmem:$0x10100] =	vst v63  }
0x3a: {  	_ = 	snop  }
0x3b: {  	[hbm4b:s7+s3] =	stream.indirect_vreg.scatter [tilespmem:s25], [sflag:$0x1], $0x80, v3, vm0, $0xb8;
	[tilespmem:$0x10100] =	vst v63  }
0x3c: {  	v3 =	vld [tilespmem:$0xC010];
	_ =	sdelay $0x4  }
0x3d: {  	v57 =	vshrl.u32 v3, $0x3  }
0x3e: {  	v4 =	vmul.u32 $0x30, v57  }
0x3f: {  	v3 =	vand.u32 $0x7, v3  }
0x40: {  	v3 =	vor.u32 v3, v4  }
0x41: {  	v4 =	vperm.xlane v3, v0;
	_ =	sdelay $0x1  }
0x42: {  	v4 =	vadd.s32 v1, v4;
	_ =	sdelay $0x3  }
0x43: {  	v3 =	vperm.xlane v3, v2  }
0x44: {  	[hbm4b:s5+s3] =	stream.indirect_vreg.scatter [tilespmem:s26], [sflag:$0x1], $0x80, v4, vm0, $0xb8;
	[tilespmem:$0x10100] =	vst v63  }
0x45: {  	v3 =	vadd.s32 v1, v3  }
0x46: {  	[hbm4b:s6+s3] =	stream.indirect_vreg.scatter [tilespmem:s28], [sflag:$0x1], $0x80, v4, vm0, $0xb8;
	[tilespmem:$0x10100] =	vst v63  }
0x47: {  	_ = 	snop  }
0x48: {  	[hbm4b:s7+s3] =	stream.indirect_vreg.scatter [tilespmem:s29], [sflag:$0x1], $0x80, v4, vm0, $0xb8;
	[tilespmem:$0x10100] =	vst v63  }
0x49: {  	_ = 	snop  }
0x4a: {  	[hbm4b:s5+s3] =	stream.indirect_vreg.scatter [tilespmem:s30], [sflag:$0x1], $0x80, v3, vm0, $0xb8;
	[tilespmem:$0x10100] =	vst v63  }
0x4b: {  	_ = 	snop  }
0x4c: {  	[hbm4b:s6+s3] =	stream.indirect_vreg.scatter [tilespmem:s31], [sflag:$0x1], $0x80, v3, vm0, $0xb8;
	[tilespmem:$0x10100] =	vst v63  }
0x4d: {  	s1 =	simm.s32 $0x5800  }
0x4e: {  	[hbm4b:s7+s3] =	stream.indirect_vreg.scatter [tilespmem:s1], [sflag:$0x1], $0x80, v3, vm0, $0xb8;
	[tilespmem:$0x10100] =	vst v63  }
0x4f: {  	v3 =	vld [tilespmem:$0xC020];
	_ =	sdelay $0x4  }
0x50: {  	v58 =	vshrl.u32 v3, $0x3  }
0x51: {  	v4 =	vmul.u32 $0x30, v58  }
0x52: {  	v3 =	vand.u32 $0x7, v3  }
0x53: {  	v3 =	vor.u32 v3, v4  }
0x54: {  	v4 =	vperm.xlane v3, v0;
	_ =	sdelay $0x1  }
0x55: {  	v4 =	vadd.s32 v1, v4;
	_ =	sdelay $0x3  }
0x56: {  	s0 =	simm.s32 $0x6000;
	v3 =	vperm.xlane v3, v2  }
0x57: {  	[hbm4b:s5+s3] =	stream.indirect_vreg.scatter [tilespmem:s0], [sflag:$0x1], $0x80, v4, vm0, $0xb8;
	[tilespmem:$0x10100] =	vst v63  }
0x58: {  	v3 =	vadd.s32 v1, v3  }
0x59: {  	[hbm4b:s6+s3] =	stream.indirect_vreg.scatter [tilespmem:s2], [sflag:$0x1], $0x80, v4, vm0, $0xb8;
	[tilespmem:$0x10100] =	vst v63  }
0x5a: {  	_ = 	snop  }
0x5b: {  	[hbm4b:s7+s3] =	stream.indirect_vreg.scatter [tilespmem:s4], [sflag:$0x1], $0x80, v4, vm0, $0xb8;
	[tilespmem:$0x10100] =	vst v63  }
0x5c: {  	_ = 	snop  }
0x5d: {  	[hbm4b:s5+s3] =	stream.indirect_vreg.scatter [tilespmem:s10], [sflag:$0x1], $0x80, v3, vm0, $0xb8;
	[tilespmem:$0x10100] =	vst v63  }
0x5e: {  	_ = 	snop  }
0x5f: {  	[hbm4b:s6+s3] =	stream.indirect_vreg.scatter [tilespmem:s11], [sflag:$0x1], $0x80, v3, vm0, $0xb8;
	[tilespmem:$0x10100] =	vst v63  }
0x60: {  	_ = 	snop  }
0x61: {  	[hbm4b:s7+s3] =	stream.indirect_vreg.scatter [tilespmem:s12], [sflag:$0x1], $0x80, v3, vm0, $0xb8;
	[tilespmem:$0x10100] =	vst v63  }
0x62: {  	v3 =	vld [tilespmem:$0xC030];
	_ =	sdelay $0x4  }
0x63: {  	v59 =	vshrl.u32 v3, $0x3  }
0x64: {  	v4 =	vmul.u32 $0x30, v59  }
0x65: {  	v3 =	vand.u32 $0x7, v3  }
0x66: {  	v3 =	vor.u32 v3, v4  }
0x67: {  	v4 =	vperm.xlane v3, v0;
	_ =	sdelay $0x1  }
0x68: {  	v4 =	vadd.s32 v1, v4;
	_ =	sdelay $0x3  }
0x69: {  	v3 =	vperm.xlane v3, v2  }
0x6a: {  	[hbm4b:s5+s3] =	stream.indirect_vreg.scatter [tilespmem:s13], [sflag:$0x1], $0x80, v4, vm0, $0xb8;
	[tilespmem:$0x10100] =	vst v63  }
0x6b: {  	v3 =	vadd.s32 v1, v3  }
0x6c: {  	[hbm4b:s6+s3] =	stream.indirect_vreg.scatter [tilespmem:s14], [sflag:$0x1], $0x80, v4, vm0, $0xb8;
	[tilespmem:$0x10100] =	vst v63  }
0x6d: {  	_ = 	snop  }
0x6e: {  	[hbm4b:s7+s3] =	stream.indirect_vreg.scatter [tilespmem:s15], [sflag:$0x1], $0x80, v4, vm0, $0xb8;
	[tilespmem:$0x10100] =	vst v63  }
0x6f: {  	_ = 	snop  }
0x70: {  	[hbm4b:s5+s3] =	stream.indirect_vreg.scatter [tilespmem:s16], [sflag:$0x1], $0x80, v3, vm0, $0xb8;
	[tilespmem:$0x10100] =	vst v63  }
0x71: {  	_ = 	snop  }
0x72: {  	[hbm4b:s6+s3] =	stream.indirect_vreg.scatter [tilespmem:s18], [sflag:$0x1], $0x80, v3, vm0, $0xb8;
	[tilespmem:$0x10100] =	vst v63  }
0x73: {  	_ = 	snop  }
0x74: {  	[hbm4b:s7+s3] =	stream.indirect_vreg.scatter [tilespmem:s19], [sflag:$0x1], $0x80, v3, vm0, $0xb8;
	[tilespmem:$0x10100] =	vst v63  }
0x75: {  	v3 =	vld [tilespmem:$0xC080];
	_ =	sdelay $0x4  }
0x76: {  	v60 =	vshrl.u32 v3, $0x3  }
0x77: {  	v4 =	vmul.u32 $0x30, v60  }
0x78: {  	v3 =	vand.u32 $0x7, v3  }
0x79: {  	v3 =	vor.u32 v3, v4  }
0x7a: {  	v4 =	vperm.xlane v3, v0;
	_ =	sdelay $0x1  }
0x7b: {  	v4 =	vadd.s32 v1, v4;
	_ =	sdelay $0x3  }
0x7c: {  	v3 =	vperm.xlane v3, v2  }
0x7d: {  	[hbm4b:s5+s3] =	stream.indirect_vreg.scatter [tilespmem:s3], [sflag:$0x2], $0x80, v4, vm0, $0xb8;
	[tilespmem:$0x10100] =	vst v63  }
0x7e: {  	v3 =	vadd.s32 v1, v3  }
0x7f: {  	[hbm4b:s6+s3] =	stream.indirect_vreg.scatter [tilespmem:s17], [sflag:$0x2], $0x80, v4, vm0, $0xb8;
	[tilespmem:$0x10100] =	vst v63  }
0x80: {  	_ = 	snop  }
0x81: {  	[hbm4b:s7+s3] =	stream.indirect_vreg.scatter [tilespmem:s22], [sflag:$0x2], $0x80, v4, vm0, $0xb8;
	[tilespmem:$0x10100] =	vst v63  }
0x82: {  	_ = 	snop  }
0x83: {  	[hbm4b:s5+s3] =	stream.indirect_vreg.scatter [tilespmem:s23], [sflag:$0x2], $0x80, v3, vm0, $0xb8;
	[tilespmem:$0x10100] =	vst v63  }
0x84: {  	_ = 	snop  }
0x85: {  	[hbm4b:s6+s3] =	stream.indirect_vreg.scatter [tilespmem:s24], [sflag:$0x2], $0x80, v3, vm0, $0xb8;
	[tilespmem:$0x10100] =	vst v63  }
0x86: {  	_ = 	snop  }
0x87: {  	[hbm4b:s7+s3] =	stream.indirect_vreg.scatter [tilespmem:s25], [sflag:$0x2], $0x80, v3, vm0, $0xb8;
	[tilespmem:$0x10100] =	vst v63  }
0x88: {  	v3 =	vld [tilespmem:$0xC090];
	_ =	sdelay $0x4  }
0x89: {  	v61 =	vshrl.u32 v3, $0x3  }
0x8a: {  	v4 =	vmul.u32 $0x30, v61  }
0x8b: {  	v3 =	vand.u32 $0x7, v3  }
0x8c: {  	v3 =	vor.u32 v3, v4  }
0x8d: {  	v4 =	vperm.xlane v3, v0;
	_ =	sdelay $0x1  }
0x8e: {  	v4 =	vadd.s32 v1, v4;
	_ =	sdelay $0x3  }
0x8f: {  	v3 =	vperm.xlane v3, v2  }
0x90: {  	[hbm4b:s5+s3] =	stream.indirect_vreg.scatter [tilespmem:s26], [sflag:$0x2], $0x80, v4, vm0, $0xb8;
	[tilespmem:$0x10100] =	vst v63  }
0x91: {  	v3 =	vadd.s32 v1, v3  }
0x92: {  	[hbm4b:s6+s3] =	stream.indirect_vreg.scatter [tilespmem:s28], [sflag:$0x2], $0x80, v4, vm0, $0xb8;
	[tilespmem:$0x10100] =	vst v63  }
0x93: {  	_ = 	snop  }
0x94: {  	[hbm4b:s7+s3] =	stream.indirect_vreg.scatter [tilespmem:s29], [sflag:$0x2], $0x80, v4, vm0, $0xb8;
	[tilespmem:$0x10100] =	vst v63  }
0x95: {  	_ = 	snop  }
0x96: {  	[hbm4b:s5+s3] =	stream.indirect_vreg.scatter [tilespmem:s30], [sflag:$0x2], $0x80, v3, vm0, $0xb8;
	[tilespmem:$0x10100] =	vst v63  }
0x97: {  	_ = 	snop  }
0x98: {  	[hbm4b:s6+s3] =	stream.indirect_vreg.scatter [tilespmem:s31], [sflag:$0x2], $0x80, v3, vm0, $0xb8;
	[tilespmem:$0x10100] =	vst v63  }
0x99: {  	_ = 	snop  }
0x9a: {  	[hbm4b:s7+s3] =	stream.indirect_vreg.scatter [tilespmem:s1], [sflag:$0x2], $0x80, v3, vm0, $0xb8;
	[tilespmem:$0x10100] =	vst v63  }
0x9b: {  	v3 =	vld [tilespmem:$0xC0A0];
	_ =	sdelay $0x4  }
0x9c: {  	v62 =	vshrl.u32 v3, $0x3  }
0x9d: {  	v4 =	vmul.u32 $0x30, v62  }
0x9e: {  	v3 =	vand.u32 $0x7, v3  }
0x9f: {  	v3 =	vor.u32 v3, v4  }
0xa0: {  	v4 =	vperm.xlane v3, v0;
	_ =	sdelay $0x1  }
0xa1: {  	v4 =	vadd.s32 v1, v4;
	_ =	sdelay $0x3  }
0xa2: {  	v3 =	vperm.xlane v3, v2  }
0xa3: {  	[hbm4b:s5+s3] =	stream.indirect_vreg.scatter [tilespmem:s0], [sflag:$0x2], $0x80, v4, vm0, $0xb8;
	[tilespmem:$0x10100] =	vst v63  }
0xa4: {  	v3 =	vadd.s32 v1, v3  }
0xa5: {  	[hbm4b:s6+s3] =	stream.indirect_vreg.scatter [tilespmem:s2], [sflag:$0x2], $0x80, v4, vm0, $0xb8;
	[tilespmem:$0x10100] =	vst v63  }
0xa6: {  	_ = 	snop  }
0xa7: {  	[hbm4b:s7+s3] =	stream.indirect_vreg.scatter [tilespmem:s4], [sflag:$0x2], $0x80, v4, vm0, $0xb8;
	[tilespmem:$0x10100] =	vst v63  }
0xa8: {  	_ = 	snop  }
0xa9: {  	[hbm4b:s5+s3] =	stream.indirect_vreg.scatter [tilespmem:s10], [sflag:$0x2], $0x80, v3, vm0, $0xb8;
	[tilespmem:$0x10100] =	vst v63  }
0xaa: {  	_ = 	snop  }
0xab: {  	[hbm4b:s6+s3] =	stream.indirect_vreg.scatter [tilespmem:s11], [sflag:$0x2], $0x80, v3, vm0, $0xb8;
	[tilespmem:$0x10100] =	vst v63  }
0xac: {  	_ = 	snop  }
0xad: {  	[hbm4b:s7+s3] =	stream.indirect_vreg.scatter [tilespmem:s12], [sflag:$0x2], $0x80, v3, vm0, $0xb8;
	[tilespmem:$0x10100] =	vst v63  }
0xae: {  	v3 =	vld [tilespmem:$0xC0B0];
	_ =	sdelay $0x4  }
0xaf: {  	v63 =	vshrl.u32 v3, $0x3  }
0xb0: {  	v4 =	vmul.u32 $0x30, v63  }
0xb1: {  	v3 =	vand.u32 $0x7, v3  }
0xb2: {  	v3 =	vor.u32 v3, v4  }
0xb3: {  	v4 =	vperm.xlane v3, v0;
	_ =	sdelay $0x1  }
0xb4: {  	v4 =	vadd.s32 v1, v4;
	_ =	sdelay $0x3  }
0xb5: {  	v3 =	vperm.xlane v3, v2  }
0xb6: {  	[hbm4b:s5+s3] =	stream.indirect_vreg.scatter [tilespmem:s13], [sflag:$0x2], $0x80, v4, vm0, $0xb8;
	[tilespmem:$0x10100] =	vst v63  }
0xb7: {  	v3 =	vadd.s32 v1, v3  }
0xb8: {  	[hbm4b:s6+s3] =	stream.indirect_vreg.scatter [tilespmem:s14], [sflag:$0x2], $0x80, v4, vm0, $0xb8;
	[tilespmem:$0x10100] =	vst v63  }
0xb9: {  	_ = 	snop  }
0xba: {  	[hbm4b:s7+s3] =	stream.indirect_vreg.scatter [tilespmem:s15], [sflag:$0x2], $0x80, v4, vm0, $0xb8;
	[tilespmem:$0x10100] =	vst v63  }
0xbb: {  	_ = 	snop  }
0xbc: {  	[hbm4b:s5+s3] =	stream.indirect_vreg.scatter [tilespmem:s16], [sflag:$0x2], $0x80, v3, vm0, $0xb8;
	[tilespmem:$0x10100] =	vst v63  }
0xbd: {  	_ = 	snop  }
0xbe: {  	[hbm4b:s6+s3] =	stream.indirect_vreg.scatter [tilespmem:s18], [sflag:$0x2], $0x80, v3, vm0, $0xb8;
	[tilespmem:$0x10100] =	vst v63  }
0xbf: {  	_ = 	snop  }
0xc0: {  	[hbm4b:s7+s3] =	stream.indirect_vreg.scatter [tilespmem:s19], [sflag:$0x2], $0x80, v3, vm0, $0xb8;
	[tilespmem:$0x10100] =	vst v63  }
0xc1: {  	s17 =	rddreg [dreg:$0x2];
	s1 =	simm.s32 $0xC000;
	s0 =	simm.s32 $0x40  }
0xc2: {  	[hbm4b:s17+s0] =	stream.indirect.scatter [tilespmem:s20], [sflag:$0x3], $0x80, s1, s0, $0xb8;
	[tilespmem:$0x10100] =	vst v63  }
0xc3: {  	s1 =	simm.s32 $0xC080  }
0xc4: {  	[hbm4b:s17+s0] =	stream.indirect.scatter [tilespmem:s21], [sflag:$0x4], $0x80, s1, s0, $0xb8;
	[tilespmem:$0x10100] =	vst v63  }
0xc5: {  	s1 =	simm.s32 $0x1  }
0xc6: {  	_ =	swait.ge [sflag:s1], $0xC000  }
0xc7: {  	[sflag:s1] =	ssyncset.done $0x0  }
0xc8: {  	s17 =	simm.s32 $0x2;
	[sflag:s1] =	ssyncadd.s32 $0xFFFF4000  }
0xc9: {  	_ =	swait.ge [sflag:s17], $0xC000  }
0xca: {  	[sflag:s17] =	ssyncset.done $0x0  }
0xcb: {  	s1 =	simm.s32 $0x3;
	[sflag:s17] =	ssyncadd.s32 $0xFFFF4000  }
0xcc: {  	p0 =	sne.s32 s8, $0x1;
	_ =	swait.ge [sflag:s1], $0x2000  }
.Ltmp0:
0xcd: {  	[sflag:s1] =	ssyncset.done $0x0;
	(pc) =	sbr.rel @p0 .LBB2_1-.Ltmp0, $4  }
0xce: {  	s17 =	simm.s32 $0x4;
	[sflag:s1] =	ssyncadd.s32 $0xFFFFE000  }
0xcf: {  	_ =	swait.ge [sflag:s17], $0x2000  }
0xd0: {  	[sflag:s17] =	ssyncset.done $0x0  }
0xd1: {  	s8 =	sadd.s32 $0xFFFFFFFF, s8;
	[sflag:s17] =	ssyncadd.s32 $0xFFFFE000  }
0xd2: {  	_ =	sfence.sel $0x180000  }
0xd3: {  	[bflag:$0x0] =	sbarrier.arrive $0xFFFF  }
0xd4: {  	_ =	strace $0x90000047  }
0xd5: {  	s0 =	stileid.u32;
	[bflag:$0x2] =	sbarrier.arrive $0xFFFF  }
0xd6: {  	p0 =	sne.s32 s0, $0x0;
	s0 =	rddreg [dreg:$0x3]  }
0xd7: {  	s0 =	sadd.s32 @!p0 $0x100000, s0  }
0xd8: {  	[sflag:s0] =	ssyncadd.tile.s32 @!p0 $0x1;
	_ =	shalt  }
.Lfunc_end2:
_tile_overlayer_lowered:
.L_overlay_start_2:
0xd9: {  	(tag) =	ssettag $0x2  }
0xda: {  	s0 =	rddreg [dreg:$0x0];
	s2 =	stileid.u32  }
0xdb: {  	s1 =	rddreg [dreg:$0x1];
	p0 =	sne.s32 s2, $0x0  }
0xdc: {  	s3 =	rddreg [dreg:$0x2];
	[bflag:$0x3] =	sbarrier.arrive $0xFFFF;
	s2 =	simm.s32 @!p0 $0x1C05  }
0xdd: {  	[timem:s3], [sflag:s2] =	dma.local @!p0 [hbm:s0], s1  }
0xde: {  	s0 =	simm.s32 @!p0 $0x5  }
0xdf: {  	_ =	swait.ge @!p0 [sflag:s0], s1  }
0xe0: {  	s1 =	ssub.s32 @!p0 $0x0, s1;
	[sflag:s0] =	ssyncset.done @!p0 $0x0  }
0xe1: {  	[sflag:s0] =	ssyncadd.s32 @!p0 s1  }
0xe2: {  	[bflag:$0x3] =	sbarrier.arrive $0xFFFF  }
0xe3: {  	_ =	shalt  }

// kernel: kernel.9.cloned.1.call-start
scs
__scs_entry_jumppad:
0x0: {  	(pc) =	sbr.rel $0x88, $3  }
0x1: {  	(tag) =	ssettag $0x0;
	lr =	simm.s32 $0x1  }
0x2: {  	[smem:$0x3F9C] =	sst lr;
	_ =	strace $0xD0000000  }
0x3: {  	_ = 	snop  }
0x4: {  	_ = 	snop  }
0x5: {  	_ = 	snop  }
0x6: {  	_ = 	snop  }
0x7: {  	_ = 	snop  }
__scs_overlays_trampoline_lowered:
0x8: {  	[smem:$0x3FAB] =	sst s0  }
0x9: {  	[smem:$0x3FAC] =	sst s1  }
0xa: {  	[smem:$0x3FAD] =	sst s2  }
0xb: {  	[smem:$0x3FAE] =	sst s3  }
0xc: {  	[smem:$0x3FAF] =	sst s4  }
0xd: {  	[smem:$0x3FB0] =	sst s5  }
0xe: {  	[smem:$0x3FB1] =	sst s6  }
0xf: {  	[smem:$0x3FB2] =	sst s7  }
0x10: {  	[smem:$0x3FB3] =	sst s8  }
0x11: {  	[smem:$0x3FB4] =	sst s9;
	s0 =	simm.s32 @!p0 $0x0  }
0x12: {  	s1 =	sld [smem:$0x3F9A];
	s0 =	simm.s32 @p0 $0x1  }
0x13: {  	[smem:$0x3FB5] =	sst s0;
	s0 =	simm.s32 @!p1 $0x0  }
0x14: {  	s2 =	sld [smem:$0x3F99];
	s0 =	simm.s32 @p1 $0x1  }
0x15: {  	[smem:$0x3FB6] =	sst s0;
	s0 =	simm.s32 @!p2 $0x0  }
0x16: {  	s3 =	sld [smem:$0x3FDB];
	s0 =	simm.s32 @p2 $0x1  }
0x17: {  	s4 =	simm.s32 $0x1BF5;
	[smem:$0x3FB8] =	sst s0  }
0x18: {  	s0 =	sld [smem:$0x3F9B];
	_ =	swait.ge [sflag:s4], $0x0  }
0x19: {  	s7 =	sld [smem:$0x3F9C]  }
0x1a: {  	s8 =	sadd.s32 $0xFFFFE003, lr  }
0x1b: {  	s9 =	sadd.s32 $0xFFFFFEF7, lr;
	s5 =	simm.s32 $0xFFFFFFFF;
	p2 =	slt.u32 s8, $0xFFFFF086  }
0x1c: {  	p1 =	slt.u32 s9, $0xF7A;
	s5 =	simm.s32 @!p2 $0x0  }
0x1d: {  	s5 =	simm.s32 @p1 $0x1;
	p0 =	seq.s32 s7, s2  }
0x1e: {  	s7 =	smul.u32 @!p0 $0xF7A, s2;
	p2 =	seq.s32 @!p0 s5, $0x0  }
0x1f: {  	s9 =	smul.u32 $0xF7A, s1;
	s8 =	simm.s32 @!p0 $0x1BF5;
	p2 =	por !p2, p0  }
0x20: {  	[sflag:s8] =	ssyncset.s32 @!p0 $0xFFFFF086;
	s6 =	sadd.s32 @!p0 s3, s7;
	s7 =	simm.s32 @!p0 $0x108  }
0x21: {  	s3 =	sadd.s32 s3, s9;
	s6 =	sadd.s32 @!p0 $0x88, s6;
	s7 =	simm.s32 @p2 $0x1082  }
0x22: {  	[simem:s7], [sflag:s8] =	dma.local @!p0 [hbm:s6], $0xF7A  }
0x23: {  	s9 =	sor.u32 $0xD0000000, s2;
	s6 =	simm.s32 $0x108;
	_ =	swait.ge @!p0 [sflag:s8], $0x0  }
0x24: {  	s3 =	sadd.s32 $0x88, s3;
	s6 =	simm.s32 @!p1 $0x1082;
	[sflag:s4] =	ssyncset.s32 $0xFFFFF086  }
0x25: {  	[simem:s6], [sflag:s4] =	dma.local [hbm:s3], $0xF7A  }
0x26: {  	[smem:$0x3F9C] =	sst s1;
	(tag) =	ssettag s2;
	_ =	strace s9  }
0x27: {  	s1 =	sld [smem:$0x3FAC]  }
0x28: {  	s2 =	sld [smem:$0x3FAD]  }
0x29: {  	s4 =	sld [smem:$0x3FAF]  }
0x2a: {  	p0 =	seq.s32 s5, $0x0;
	s5 =	sld [smem:$0x3FB0]  }
0x2b: {  	s6 =	sld [smem:$0x3FB1]  }
0x2c: {  	s7 =	sld [smem:$0x3FB2]  }
0x2d: {  	s3 =	simm.s32 $0x108;
	s8 =	sld [smem:$0x3FB3]  }
0x2e: {  	s3 =	simm.s32 @!p0 $0x1082;
	s9 =	sld [smem:$0x3FB4]  }
0x2f: {  	lr =	sadd.s32 s0, s3;
	s0 =	sld [smem:$0x3FAB]  }
0x30: {  	s3 =	sld [smem:$0x3FAE]  }
0x31: {  	[smem:$0x3FB7] =	sst s10  }
0x32: {  	s10 =	sld [smem:$0x3FB5];
	_ =	sdelay $0x3  }
0x33: {  	p0 =	seq.s32 s10, $0x1;
	s10 =	sld [smem:$0x3FB7];
	_ =	sdelay $0x3  }
0x34: {  	[smem:$0x3FB7] =	sst s10  }
0x35: {  	s10 =	sld [smem:$0x3FB6];
	_ =	sdelay $0x3  }
0x36: {  	p1 =	seq.s32 s10, $0x1;
	s10 =	sld [smem:$0x3FB7];
	_ =	sdelay $0x3  }
0x37: {  	[smem:$0x3FB7] =	sst s10  }
0x38: {  	s10 =	sld [smem:$0x3FB8]  }
0x39: {  	_ = 	snop;
	(pc) =	sbr.ind lr, $3  }
0x3a: {  	_ = 	snop  }
0x3b: {  	_ = 	snop  }
0x3c: {  	p2 =	seq.s32 s10, $0x1;
	s10 =	sld [smem:$0x3FB7]  }
0x3d: {  	_ =	shalt  }
0x3e: {  	_ =	shalt  }
0x3f: {  	_ =	shalt  }
0x40: {  	_ =	shalt  }
0x41: {  	_ =	shalt  }
0x42: {  	_ =	shalt  }
0x43: {  	_ =	shalt  }
0x44: {  	_ =	shalt  }
0x45: {  	_ =	shalt  }
0x46: {  	_ =	shalt  }
0x47: {  	_ =	shalt  }
0x48: {  	_ =	shalt  }
0x49: {  	_ =	shalt  }
0x4a: {  	_ =	shalt  }
0x4b: {  	_ =	shalt  }
0x4c: {  	_ =	shalt  }
0x4d: {  	_ =	shalt  }
0x4e: {  	_ =	shalt  }
0x4f: {  	_ =	shalt  }
0x50: {  	_ =	shalt  }
0x51: {  	_ =	shalt  }
0x52: {  	_ =	shalt  }
0x53: {  	_ =	shalt  }
0x54: {  	_ =	shalt  }
0x55: {  	_ =	shalt  }
0x56: {  	_ =	shalt  }
0x57: {  	_ =	shalt  }
0x58: {  	_ =	shalt  }
0x59: {  	_ =	shalt  }
0x5a: {  	_ =	shalt  }
0x5b: {  	_ =	shalt  }
0x5c: {  	_ =	shalt  }
0x5d: {  	_ =	shalt  }
0x5e: {  	_ =	shalt  }
0x5f: {  	_ =	shalt  }
0x60: {  	_ =	shalt  }
0x61: {  	_ =	shalt  }
0x62: {  	_ =	shalt  }
0x63: {  	_ =	shalt  }
0x64: {  	_ =	shalt  }
0x65: {  	_ =	shalt  }
0x66: {  	_ =	shalt  }
0x67: {  	_ =	shalt  }
0x68: {  	_ =	shalt  }
0x69: {  	_ =	shalt  }
0x6a: {  	_ =	shalt  }
0x6b: {  	_ =	shalt  }
0x6c: {  	_ =	shalt  }
0x6d: {  	_ =	shalt  }
0x6e: {  	_ =	shalt  }
0x6f: {  	_ =	shalt  }
0x70: {  	_ =	shalt  }
0x71: {  	_ =	shalt  }
0x72: {  	_ =	shalt  }
0x73: {  	_ =	shalt  }
0x74: {  	_ =	shalt  }
0x75: {  	_ =	shalt  }
0x76: {  	_ =	shalt  }
0x77: {  	_ =	shalt  }
0x78: {  	_ =	shalt  }
0x79: {  	_ =	shalt  }
0x7a: {  	_ =	shalt  }
0x7b: {  	_ =	shalt  }
0x7c: {  	_ =	shalt  }
0x7d: {  	_ =	shalt  }
0x7e: {  	_ =	shalt  }
0x7f: {  	_ =	shalt  }
0x80: {  	_ =	shalt  }
0x81: {  	_ =	shalt  }
0x82: {  	_ =	shalt  }
0x83: {  	_ =	shalt  }
0x84: {  	_ =	shalt  }
0x85: {  	_ =	shalt  }
0x86: {  	_ =	shalt  }
0x87: {  	_ =	shalt  }
.Lfunc_end0:
.L_simem_size_0:
called_computation.1_lowered:
.L_overlay_start_0:
0x88: {  	s2 =	sld [smem:$0x3FD9]  }
0x89: {  	s3 =	sld [smem:$0x3FFE];
	_ =	sdelay $0x1  }
0x8a: {  	s1 =	srdreg.scid  }
0x8b: {  	s0 =	sand.u32 $0x1, s1  }
0x8c: {  	s17 =	sshll.u32 s0, $0xA;
	s2 =	sadd.s32 s3, s2  }
0x8d: {  	s2 =	sadd.s32 s2, s17  }
0x8e: {  	[smem:$0x3FC3] =	sst s2  }
0x8f: {  	_ = 	snop  }
0x90: {  	s2 =	sld [smem:$0x3FD0];
	(tm) =	ssettm $0x1  }
0x91: {  	s18 =	sld [smem:$0x3FFB];
	_ =	sdelay $0x3  }
0x92: {  	_ =	strace s18  }
0x93: {  	s3 =	sld [smem:$0x3FFC];
	_ =	sdelay $0x3  }
0x94: {  	_ =	strace s3  }
0x95: {  	s3 =	sld [smem:$0x3FFD];
	_ =	sdelay $0x3  }
0x96: {  	_ =	strace s3  }
0x97: {  	_ =	strace $0x8FFFFFFF  }
0x98: {  	s19 =	sld [smem:$0x3FDB];
	_ =	sdelay $0x1  }
0x99: {  	s4 =	simm.s32 $_scs_section_size  }
0x9a: {  	s5 =	simm.s32 $_size__tile_overlayer_lowered;
	s6 =	simm.s32 $_tile_overlayer_lowered  }
0x9b: {  	s22 =	simm.s32 $0x1BFF;
	s21 =	sshll.u32 s6, $0x1;
	s3 =	sadd.s32 s4, s19  }
0x9c: {  	s7 =	simm.s32 $0x0;
	s20 =	sshll.u32 s5, $0x1;
	s5 =	sadd.s32 s21, s3  }
0x9d: {  	[timem:s7], [sflag:s22] =	dma.local [hbm:s5], s20  }
0x9e: {  	_ =	swait.ge [sflag:s22], s20  }
0x9f: {  	s4 =	ssub.s32 $0x0, s20;
	[sflag:s22] =	ssyncset.done $0x0  }
0xa0: {  	[sflag:s22] =	ssyncadd.s32 s4;
	_ =	sdelay $0x1  }
0xa1: {  	s23 =	simm.s32 $0x1B8B  }
0xa2: {  	_ =	swait.ge [sflag:s23], $0x1  }
0xa3: {  	[sflag:s23] =	ssyncset.done $0x0  }
0xa4: {  	s25 =	simm.s32 $0x1B8E;
	s24 =	sld [smem:$0x3FFE];
	[sflag:s23] =	ssyncadd.s32 $0xFFFFFFFF  }
0xa5: {  	s26 =	simm.s32 $execute0_lowered;
	[smem:$0x3FD2] =	sst s25  }
0xa6: {  	s5 =	sshll.u32 s26, $0x1;
	_ =	strace $0x80000049;
	[dreg:$0x1] =	wrdreg $0xFFFFFFFF  }
0xa7: {  	s28 =	simm.s32 $_size_execute0_lowered;
	s3 =	sadd.s32 s3, s5;
	[dreg:$0x0] =	wrdreg $0x0  }
0xa8: {  	s5 =	sshll.u32 s28, $0x1;
	[dreg:$0x2] =	wrdreg s3  }
0xa9: {  	[dreg:$0x3] =	wrdreg s5  }
0xaa: {  	[dreg:$0x4] =	wrdreg $0xC0  }
0xab: {  	_ =	task [dreg:s7], $0x5FFFF  }
0xac: {  	[dreg:$0x1] =	wrdreg $0xFFFFFFFF  }
0xad: {  	[dreg:$0x0] =	wrdreg $0x60  }
0xae: {  	[dreg:$0x2] =	wrdreg s24  }
0xaf: {  	[dreg:$0x3] =	wrdreg s2  }
0xb0: {  	[dreg:$0x4] =	wrdreg $0x9  }
0xb1: {  	_ =	task.clear_ibuf [dreg:s7], $0x5FFFF;
	_ =	strace $0x90000049  }
0xb2: {  	s29 =	simm.s32 $0x9;
	_ =	strace $0x8000004B  }
0xb3: {  	_ =	swait.ge [sflag:s29], $0x1  }
0xb4: {  	[sflag:s29] =	ssyncadd.s32 $0xFFFFFFFF  }
0xb5: {  	_ =	strace $0x9000004B  }
0xb6: {  	_ =	sfence  }
0xb7: {  	s30 =	sld [smem:$0x0];
	_ =	sdelay $0x2  }
0xb8: {  	s31 =	sshll.u32 s1, $0xD;
	s1 =	sshrl.u32 s1, $0x2  }
0xb9: {  	s3 =	sand.u32 $0x4000, s31;
	s1 =	sadd.s32 s1, s30  }
0xba: {  	s0 =	sor.u32 s3, s0;
	s1 =	sshll.u32 s1, $0x11  }
0xbb: {  	s0 =	sor.u32 s1, s0  }
0xbc: {  	s0 =	sadd.s32 $0x8F2B, s0  }
0xbd: {  	[sflag:s0] =	ssyncadd.remote.s32 $0x1  }
0xbe: {  	_ =	sfence.sel $0xFFFF  }
0xbf: {  	[dreg:$0x0] =	wrdreg $0xFFFFFFFF;
	(pc) =	sbr.abs _section_cstart, $3  }
0xc0: {  	[dreg:$0x1] =	wrdreg $0xFFFFFFFF  }
0xc1: {  	_ =	task.clear_ibuf [dreg:s7], $0x2FFFF;
	_ =	strace $0x9FFFFFFF  }
0xc2: {  	(tm) =	ssettm $0x7FFFFFFF  }
0xc3: {  	_ =	shalt  }
tec
execute0_lowered:
.L_overlay_start_1:
0x0: {  	(tag) =	ssettag $0x1  }
0x1: {  	s0 =	rddreg [dreg:$0x0]  }
0x2: {  	s1 =	rddreg [dreg:$0x1];
	s2 =	simm.s32 $0x0;
	s3 =	srdreg.scid  }
0x3: {  	s5 =	stileid.u32;
	s10 =	simm.s32 $0x3;
	s12 =	simm.s32 $0x100  }
0x4: {  	s28 =	simm.s32 $0x12100;
	s29 =	simm.s32 $0x12900;
	s30 =	simm.s32 $0x13100  }
0x5: {  	s31 =	simm.s32 $0x13900;
	s11 =	simm.s32 $0x15100;
	s13 =	simm.s32 $0x15900  }
0x6: {  	s14 =	simm.s32 $0x16100;
	s15 =	simm.s32 $0x16900;
	s16 =	simm.s32 $0x17100  }
0x7: {  	s17 =	simm.s32 $0x17900;
	s18 =	simm.s32 $0x1;
	s19 =	simm.s32 $0x2  }
0x8: {  	s20 =	simm.s32 $0x0;
	[smem:$0x7FF] =	sst s2;
	s4 =	sand.u32 $0x1, s3  }
0x9: {  	s5 =	sshll.u32 s5, $0x4;
	s3 =	sadd.s32 $0x71200, s0;
	s6 =	sshll.u32 s4, $0x3  }
0xa: {  	_ =	strace $0x8000004A;
	s4 =	ssub.s32 $0x2, s4;
	s5 =	sor.u32 s6, s5  }
0xb: {  	s7 =	sshrl.u32 s4, $0x1;
	s6 =	sadd.s32 s5, s0;
	s8 =	smul.u32 $0x300, s5  }
0xc: {  	v2 =	vlaneseq.u32;
	s9 =	ssub.s32 s4, s7;
	s7 =	sadd.s32 $0x71400, s0;
	s4 =	sadd.s32 $0x10000, s6  }
0xd: {  	vm0 =	vmmov $0xffff;
	v1 =	vshrl.u32 v2, $0x3;
	s5 =	sadd.s32 $0x10200, s6;
	s6 =	sadd.s32 $0x71300, s0;
	s9 =	smax.u32 s9, $0x1  }
0xe: {  	v0 =	vand.u32 $0x7, v2;
	v2 =	vor.u32 $0x8, v2;
	v1 =	vmul.u32 $0x8, v1;
	s0 =	simm.s32 $0x14100;
	s8 =	sadd.s32 s1, s8;
	s1 =	simm.s32 $0x14900  }
.LBB2_1:
0xf: {  	[tilespmem:s2], [sflag:$0x3] =	stream.linear.gather [hbm4b:s4+s2], $0x40, $0x38;
	[tilespmem:$0x18100] =	vst v63  }
0x10: {  	_ =	swait.ge [sflag:s10], $0x40  }
0x11: {  	[sflag:s10] =	ssyncset.done $0x0  }
0x12: {  	s21 =	simm.s32 $0x80;
	[sflag:s10] =	ssyncadd.s32 $0xFFFFFFC0  }
0x13: {  	[tilespmem:s21], [sflag:$0x3] =	stream.linear.gather [hbm4b:s5+s2], $0x40, $0x38;
	[tilespmem:$0x18100] =	vst v63  }
0x14: {  	_ =	swait.ge [sflag:s10], $0x40  }
0x15: {  	[sflag:s10] =	ssyncset.done $0x0  }
0x16: {  	[sflag:s10] =	ssyncadd.s32 $0xFFFFFFC0  }
0x17: {  	v3 =	vld [tilespmem:$0x0];
	_ =	sdelay $0x4  }
0x18: {  	v4 =	vshrl.u32 v3, $0x3  }
0x19: {  	v4 =	vmul.u32 $0x30, v4  }
0x1a: {  	v3 =	vand.u32 $0x7, v3  }
0x1b: {  	v3 =	vor.u32 v3, v4  }
0x1c: {  	v4 =	vperm.xlane v3, v0;
	_ =	sdelay $0x1  }
0x1d: {  	v4 =	vadd.s32 v1, v4;
	_ =	sdelay $0x3  }
0x1e: {  	v3 =	vperm.xlane v3, v2  }
0x1f: {  	[tilespmem:s12], [sflag:$0x1] =	stream.indirect_vreg.gather [hbm4b:s3+s2], $0x80, v4, vm0, $0xb8;
	[tilespmem:$0x18100] =	vst v63  }
0x20: {  	s22 =	simm.s32 $0x900;
	v3 =	vadd.s32 v1, v3  }
0x21: {  	[tilespmem:s22], [sflag:$0x1] =	stream.indirect_vreg.gather [hbm4b:s6+s2], $0x80, v4, vm0, $0xb8;
	[tilespmem:$0x18100] =	vst v63  }
0x22: {  	s23 =	simm.s32 $0x1100  }
0x23: {  	[tilespmem:s23], [sflag:$0x1] =	stream.indirect_vreg.gather [hbm4b:s7+s2], $0x80, v4, vm0, $0xb8;
	[tilespmem:$0x18100] =	vst v63  }
0x24: {  	s24 =	simm.s32 $0x1900  }
0x25: {  	[tilespmem:s24], [sflag:$0x1] =	stream.indirect_vreg.gather [hbm4b:s3+s2], $0x80, v3, vm0, $0xb8;
	[tilespmem:$0x18100] =	vst v63  }
0x26: {  	s25 =	simm.s32 $0x2100  }
0x27: {  	[tilespmem:s25], [sflag:$0x1] =	stream.indirect_vreg.gather [hbm4b:s6+s2], $0x80, v3, vm0, $0xb8;
	[tilespmem:$0x18100] =	vst v63  }
0x28: {  	s26 =	simm.s32 $0x2900  }
0x29: {  	[tilespmem:s26], [sflag:$0x1] =	stream.indirect_vreg.gather [hbm4b:s7+s2], $0x80, v3, vm0, $0xb8;
	[tilespmem:$0x18100] =	vst v63  }
0x2a: {  	v3 =	vld [tilespmem:$0x10];
	_ =	sdelay $0x4  }
0x2b: {  	v57 =	vshrl.u32 v3, $0x3  }
0x2c: {  	v4 =	vmul.u32 $0x30, v57  }
0x2d: {  	v3 =	vand.u32 $0x7, v3  }
0x2e: {  	v3 =	vor.u32 v3, v4  }
0x2f: {  	v4 =	vperm.xlane v3, v0;
	_ =	sdelay $0x1  }
0x30: {  	v4 =	vadd.s32 v1, v4;
	_ =	sdelay $0x3  }
0x31: {  	s22 =	simm.s32 $0x3100;
	v3 =	vperm.xlane v3, v2  }
0x32: {  	[tilespmem:s22], [sflag:$0x1] =	stream.indirect_vreg.gather [hbm4b:s3+s2], $0x80, v4, vm0, $0xb8;
	[tilespmem:$0x18100] =	vst v63  }
0x33: {  	s23 =	simm.s32 $0x3900;
	v3 =	vadd.s32 v1, v3  }
0x34: {  	[tilespmem:s23], [sflag:$0x1] =	stream.indirect_vreg.gather [hbm4b:s6+s2], $0x80, v4, vm0, $0xb8;
	[tilespmem:$0x18100] =	vst v63  }
0x35: {  	s24 =	simm.s32 $0x4100  }
0x36: {  	[tilespmem:s24], [sflag:$0x1] =	stream.indirect_vreg.gather [hbm4b:s7+s2], $0x80, v4, vm0, $0xb8;
	[tilespmem:$0x18100] =	vst v63  }
0x37: {  	s25 =	simm.s32 $0x4900  }
0x38: {  	[tilespmem:s25], [sflag:$0x1] =	stream.indirect_vreg.gather [hbm4b:s3+s2], $0x80, v3, vm0, $0xb8;
	[tilespmem:$0x18100] =	vst v63  }
0x39: {  	s26 =	simm.s32 $0x5100  }
0x3a: {  	[tilespmem:s26], [sflag:$0x1] =	stream.indirect_vreg.gather [hbm4b:s6+s2], $0x80, v3, vm0, $0xb8;
	[tilespmem:$0x18100] =	vst v63  }
0x3b: {  	s22 =	simm.s32 $0x5900  }
0x3c: {  	[tilespmem:s22], [sflag:$0x1] =	stream.indirect_vreg.gather [hbm4b:s7+s2], $0x80, v3, vm0, $0xb8;
	[tilespmem:$0x18100] =	vst v63  }
0x3d: {  	v3 =	vld [tilespmem:$0x20];
	_ =	sdelay $0x4  }
0x3e: {  	v58 =	vshrl.u32 v3, $0x3  }
0x3f: {  	v4 =	vmul.u32 $0x30, v58  }
0x40: {  	v3 =	vand.u32 $0x7, v3  }
0x41: {  	v3 =	vor.u32 v3, v4  }
0x42: {  	v4 =	vperm.xlane v3, v0;
	_ =	sdelay $0x1  }
0x43: {  	v4 =	vadd.s32 v1, v4;
	_ =	sdelay $0x3  }
0x44: {  	s23 =	simm.s32 $0x6100;
	v3 =	vperm.xlane v3, v2  }
0x45: {  	[tilespmem:s23], [sflag:$0x1] =	stream.indirect_vreg.gather [hbm4b:s3+s2], $0x80, v4, vm0, $0xb8;
	[tilespmem:$0x18100] =	vst v63  }
0x46: {  	s24 =	simm.s32 $0x6900;
	v3 =	vadd.s32 v1, v3  }
0x47: {  	[tilespmem:s24], [sflag:$0x1] =	stream.indirect_vreg.gather [hbm4b:s6+s2], $0x80, v4, vm0, $0xb8;
	[tilespmem:$0x18100] =	vst v63  }
0x48: {  	s25 =	simm.s32 $0x7100  }
0x49: {  	[tilespmem:s25], [sflag:$0x1] =	stream.indirect_vreg.gather [hbm4b:s7+s2], $0x80, v4, vm0, $0xb8;
	[tilespmem:$0x18100] =	vst v63  }
0x4a: {  	s26 =	simm.s32 $0x7900  }
0x4b: {  	[tilespmem:s26], [sflag:$0x1] =	stream.indirect_vreg.gather [hbm4b:s3+s2], $0x80, v3, vm0, $0xb8;
	[tilespmem:$0x18100] =	vst v63  }
0x4c: {  	s22 =	simm.s32 $0x8100  }
0x4d: {  	[tilespmem:s22], [sflag:$0x1] =	stream.indirect_vreg.gather [hbm4b:s6+s2], $0x80, v3, vm0, $0xb8;
	[tilespmem:$0x18100] =	vst v63  }
0x4e: {  	s23 =	simm.s32 $0x8900  }
0x4f: {  	[tilespmem:s23], [sflag:$0x1] =	stream.indirect_vreg.gather [hbm4b:s7+s2], $0x80, v3, vm0, $0xb8;
	[tilespmem:$0x18100] =	vst v63  }
0x50: {  	v3 =	vld [tilespmem:$0x30];
	_ =	sdelay $0x4  }
0x51: {  	v59 =	vshrl.u32 v3, $0x3  }
0x52: {  	v4 =	vmul.u32 $0x30, v59  }
0x53: {  	v3 =	vand.u32 $0x7, v3  }
0x54: {  	v3 =	vor.u32 v3, v4  }
0x55: {  	v4 =	vperm.xlane v3, v0;
	_ =	sdelay $0x1  }
0x56: {  	v4 =	vadd.s32 v1, v4;
	_ =	sdelay $0x3  }
0x57: {  	s24 =	simm.s32 $0x9100;
	v3 =	vperm.xlane v3, v2  }
0x58: {  	[tilespmem:s24], [sflag:$0x1] =	stream.indirect_vreg.gather [hbm4b:s3+s2], $0x80, v4, vm0, $0xb8;
	[tilespmem:$0x18100] =	vst v63  }
0x59: {  	s25 =	simm.s32 $0x9900;
	v3 =	vadd.s32 v1, v3  }
0x5a: {  	[tilespmem:s25], [sflag:$0x1] =	stream.indirect_vreg.gather [hbm4b:s6+s2], $0x80, v4, vm0, $0xb8;
	[tilespmem:$0x18100] =	vst v63  }
0x5b: {  	s26 =	simm.s32 $0xA100  }
0x5c: {  	[tilespmem:s26], [sflag:$0x1] =	stream.indirect_vreg.gather [hbm4b:s7+s2], $0x80, v4, vm0, $0xb8;
	[tilespmem:$0x18100] =	vst v63  }
0x5d: {  	s22 =	simm.s32 $0xA900  }
0x5e: {  	[tilespmem:s22], [sflag:$0x1] =	stream.indirect_vreg.gather [hbm4b:s3+s2], $0x80, v3, vm0, $0xb8;
	[tilespmem:$0x18100] =	vst v63  }
0x5f: {  	s23 =	simm.s32 $0xB100  }
0x60: {  	[tilespmem:s23], [sflag:$0x1] =	stream.indirect_vreg.gather [hbm4b:s6+s2], $0x80, v3, vm0, $0xb8;
	[tilespmem:$0x18100] =	vst v63  }
0x61: {  	s24 =	simm.s32 $0xB900  }
0x62: {  	[tilespmem:s24], [sflag:$0x1] =	stream.indirect_vreg.gather [hbm4b:s7+s2], $0x80, v3, vm0, $0xb8;
	[tilespmem:$0x18100] =	vst v63  }
0x63: {  	v3 =	vld [tilespmem:$0x80];
	_ =	sdelay $0x4  }
0x64: {  	v60 =	vshrl.u32 v3, $0x3  }
0x65: {  	v4 =	vmul.u32 $0x30, v60  }
0x66: {  	v3 =	vand.u32 $0x7, v3  }
0x67: {  	v3 =	vor.u32 v3, v4  }
0x68: {  	v4 =	vperm.xlane v3, v0;
	_ =	sdelay $0x1  }
0x69: {  	v4 =	vadd.s32 v1, v4;
	_ =	sdelay $0x3  }
0x6a: {  	s25 =	simm.s32 $0xC100;
	v3 =	vperm.xlane v3, v2  }
0x6b: {  	[tilespmem:s25], [sflag:$0x2] =	stream.indirect_vreg.gather [hbm4b:s3+s2], $0x80, v4, vm0, $0xb8;
	[tilespmem:$0x18100] =	vst v63  }
0x6c: {  	s26 =	simm.s32 $0xC900;
	v3 =	vadd.s32 v1, v3  }
0x6d: {  	[tilespmem:s26], [sflag:$0x2] =	stream.indirect_vreg.gather [hbm4b:s6+s2], $0x80, v4, vm0, $0xb8;
	[tilespmem:$0x18100] =	vst v63  }
0x6e: {  	s22 =	simm.s32 $0xD100  }
0x6f: {  	[tilespmem:s22], [sflag:$0x2] =	stream.indirect_vreg.gather [hbm4b:s7+s2], $0x80, v4, vm0, $0xb8;
	[tilespmem:$0x18100] =	vst v63  }
0x70: {  	s23 =	simm.s32 $0xD900  }
0x71: {  	[tilespmem:s23], [sflag:$0x2] =	stream.indirect_vreg.gather [hbm4b:s3+s2], $0x80, v3, vm0, $0xb8;
	[tilespmem:$0x18100] =	vst v63  }
0x72: {  	s24 =	simm.s32 $0xE100  }
0x73: {  	[tilespmem:s24], [sflag:$0x2] =	stream.indirect_vreg.gather [hbm4b:s6+s2], $0x80, v3, vm0, $0xb8;
	[tilespmem:$0x18100] =	vst v63  }
0x74: {  	s25 =	simm.s32 $0xE900  }
0x75: {  	[tilespmem:s25], [sflag:$0x2] =	stream.indirect_vreg.gather [hbm4b:s7+s2], $0x80, v3, vm0, $0xb8;
	[tilespmem:$0x18100] =	vst v63  }
0x76: {  	v3 =	vld [tilespmem:$0x90];
	_ =	sdelay $0x4  }
0x77: {  	v61 =	vshrl.u32 v3, $0x3  }
0x78: {  	v4 =	vmul.u32 $0x30, v61  }
0x79: {  	v3 =	vand.u32 $0x7, v3  }
0x7a: {  	v3 =	vor.u32 v3, v4  }
0x7b: {  	v4 =	vperm.xlane v3, v0;
	_ =	sdelay $0x1  }
0x7c: {  	v4 =	vadd.s32 v1, v4;
	_ =	sdelay $0x3  }
0x7d: {  	s26 =	simm.s32 $0xF100;
	v3 =	vperm.xlane v3, v2  }
0x7e: {  	[tilespmem:s26], [sflag:$0x2] =	stream.indirect_vreg.gather [hbm4b:s3+s2], $0x80, v4, vm0, $0xb8;
	[tilespmem:$0x18100] =	vst v63  }
0x7f: {  	s22 =	simm.s32 $0xF900;
	v3 =	vadd.s32 v1, v3  }
0x80: {  	[tilespmem:s22], [sflag:$0x2] =	stream.indirect_vreg.gather [hbm4b:s6+s2], $0x80, v4, vm0, $0xb8;
	[tilespmem:$0x18100] =	vst v63  }
0x81: {  	s23 =	simm.s32 $0x10100  }
0x82: {  	[tilespmem:s23], [sflag:$0x2] =	stream.indirect_vreg.gather [hbm4b:s7+s2], $0x80, v4, vm0, $0xb8;
	[tilespmem:$0x18100] =	vst v63  }
0x83: {  	s24 =	simm.s32 $0x10900  }
0x84: {  	[tilespmem:s24], [sflag:$0x2] =	stream.indirect_vreg.gather [hbm4b:s3+s2], $0x80, v3, vm0, $0xb8;
	[tilespmem:$0x18100] =	vst v63  }
0x85: {  	s25 =	simm.s32 $0x11100  }
0x86: {  	[tilespmem:s25], [sflag:$0x2] =	stream.indirect_vreg.gather [hbm4b:s6+s2], $0x80, v3, vm0, $0xb8;
	[tilespmem:$0x18100] =	vst v63  }
0x87: {  	s26 =	simm.s32 $0x11900  }
0x88: {  	[tilespmem:s26], [sflag:$0x2] =	stream.indirect_vreg.gather [hbm4b:s7+s2], $0x80, v3, vm0, $0xb8;
	[tilespmem:$0x18100] =	vst v63  }
0x89: {  	v3 =	vld [tilespmem:$0xA0];
	_ =	sdelay $0x4  }
0x8a: {  	v62 =	vshrl.u32 v3, $0x3  }
0x8b: {  	v4 =	vmul.u32 $0x30, v62  }
0x8c: {  	v3 =	vand.u32 $0x7, v3  }
0x8d: {  	v3 =	vor.u32 v3, v4  }
0x8e: {  	v4 =	vperm.xlane v3, v0;
	_ =	sdelay $0x1  }
0x8f: {  	v4 =	vadd.s32 v1, v4;
	_ =	sdelay $0x3  }
0x90: {  	v3 =	vperm.xlane v3, v2  }
0x91: {  	[tilespmem:s28], [sflag:$0x2] =	stream.indirect_vreg.gather [hbm4b:s3+s2], $0x80, v4, vm0, $0xb8;
	[tilespmem:$0x18100] =	vst v63  }
0x92: {  	v3 =	vadd.s32 v1, v3  }
0x93: {  	[tilespmem:s29], [sflag:$0x2] =	stream.indirect_vreg.gather [hbm4b:s6+s2], $0x80, v4, vm0, $0xb8;
	[tilespmem:$0x18100] =	vst v63  }
0x94: {  	_ = 	snop  }
0x95: {  	[tilespmem:s30], [sflag:$0x2] =	stream.indirect_vreg.gather [hbm4b:s7+s2], $0x80, v4, vm0, $0xb8;
	[tilespmem:$0x18100] =	vst v63  }
0x96: {  	_ = 	snop  }
0x97: {  	[tilespmem:s31], [sflag:$0x2] =	stream.indirect_vreg.gather [hbm4b:s3+s2], $0x80, v3, vm0, $0xb8;
	[tilespmem:$0x18100] =	vst v63  }
0x98: {  	_ = 	snop  }
0x99: {  	[tilespmem:s0], [sflag:$0x2] =	stream.indirect_vreg.gather [hbm4b:s6+s2], $0x80, v3, vm0, $0xb8;
	[tilespmem:$0x18100] =	vst v63  }
0x9a: {  	_ = 	snop  }
0x9b: {  	[tilespmem:s1], [sflag:$0x2] =	stream.indirect_vreg.gather [hbm4b:s7+s2], $0x80, v3, vm0, $0xb8;
	[tilespmem:$0x18100] =	vst v63  }
0x9c: {  	v3 =	vld [tilespmem:$0xB0];
	_ =	sdelay $0x4  }
0x9d: {  	v63 =	vshrl.u32 v3, $0x3  }
0x9e: {  	v4 =	vmul.u32 $0x30, v63  }
0x9f: {  	v3 =	vand.u32 $0x7, v3  }
0xa0: {  	v3 =	vor.u32 v3, v4  }
0xa1: {  	v4 =	vperm.xlane v3, v0;
	_ =	sdelay $0x1  }
0xa2: {  	v4 =	vadd.s32 v1, v4;
	_ =	sdelay $0x3  }
0xa3: {  	v3 =	vperm.xlane v3, v2  }
0xa4: {  	[tilespmem:s11], [sflag:$0x2] =	stream.indirect_vreg.gather [hbm4b:s3+s2], $0x80, v4, vm0, $0xb8;
	[tilespmem:$0x18100] =	vst v63  }
0xa5: {  	v3 =	vadd.s32 v1, v3  }
0xa6: {  	[tilespmem:s13], [sflag:$0x2] =	stream.indirect_vreg.gather [hbm4b:s6+s2], $0x80, v4, vm0, $0xb8;
	[tilespmem:$0x18100] =	vst v63  }
0xa7: {  	_ = 	snop  }
0xa8: {  	[tilespmem:s14], [sflag:$0x2] =	stream.indirect_vreg.gather [hbm4b:s7+s2], $0x80, v4, vm0, $0xb8;
	[tilespmem:$0x18100] =	vst v63  }
0xa9: {  	_ = 	snop  }
0xaa: {  	[tilespmem:s15], [sflag:$0x2] =	stream.indirect_vreg.gather [hbm4b:s3+s2], $0x80, v3, vm0, $0xb8;
	[tilespmem:$0x18100] =	vst v63  }
0xab: {  	_ = 	snop  }
0xac: {  	[tilespmem:s16], [sflag:$0x2] =	stream.indirect_vreg.gather [hbm4b:s6+s2], $0x80, v3, vm0, $0xb8;
	[tilespmem:$0x18100] =	vst v63  }
0xad: {  	_ = 	snop  }
0xae: {  	[tilespmem:s17], [sflag:$0x2] =	stream.indirect_vreg.gather [hbm4b:s7+s2], $0x80, v3, vm0, $0xb8;
	[tilespmem:$0x18100] =	vst v63  }
0xaf: {  	_ =	swait.ge [sflag:s18], $0xC000  }
0xb0: {  	[sflag:s18] =	ssyncset.done $0x0  }
0xb1: {  	[sflag:s18] =	ssyncadd.s32 $0xFFFF4000  }
0xb2: {  	_ =	swait.ge [sflag:s19], $0xC000  }
0xb3: {  	[sflag:s19] =	ssyncset.done $0x0  }
0xb4: {  	s21 =	simm.s32 $0x0;
	s22 =	simm.s32 $0x0;
	[sflag:s19] =	ssyncadd.s32 $0xFFFF4000  }
.LBB2_2:
0xb5: {  	s23 =	sshrl.u32 s22, $0x3  }
0xb6: {  	s24 =	sand.u32 $0x7, s21;
	s23 =	smul.u32 $0x6000, s23  }
0xb7: {  	s24 =	sshll.u32 s24, $0x9  }
0xb8: {  	s23 =	sor.u32 s24, s23  }
0xb9: {  	s24 =	sshra.s32 s23, $0x2  }
0xba: {  	s23 =	sadd.s32 $0x140, s24  }
0xbb: {  	s24 =	sadd.s32 $0xC140, s24;
	v3 =	vld [tilespmem:s23+$0xFFFFFFC0]  }
0xbc: {  	v4 =	vld [tilespmem:s24+$0xFFFFFFC0];
	_ =	sdelay $0x4  }
0xbd: {  	v3 =	vadd.f32 v4, v3;
	_ =	sdelay $0x1  }
0xbe: {  	[tilespmem:s23+$0xFFFFFFC0] =	vst v3;
	v3 =	vld [tilespmem:s23+$0xFFFFFFD0]  }
0xbf: {  	v4 =	vld [tilespmem:s24+$0xFFFFFFD0];
	_ =	sdelay $0x4  }
0xc0: {  	v3 =	vadd.f32 v4, v3;
	_ =	sdelay $0x1  }
0xc1: {  	[tilespmem:s23+$0xFFFFFFD0] =	vst v3;
	v3 =	vld [tilespmem:s23+$0xFFFFFFE0]  }
0xc2: {  	v4 =	vld [tilespmem:s24+$0xFFFFFFE0];
	_ =	sdelay $0x4  }
0xc3: {  	v3 =	vadd.f32 v4, v3;
	_ =	sdelay $0x1  }
0xc4: {  	[tilespmem:s23+$0xFFFFFFE0] =	vst v3;
	v3 =	vld [tilespmem:s23+$0xFFFFFFF0]  }
0xc5: {  	v4 =	vld [tilespmem:s24+$0xFFFFFFF0];
	_ =	sdelay $0x4  }
0xc6: {  	v3 =	vadd.f32 v4, v3;
	_ =	sdelay $0x1  }
0xc7: {  	[tilespmem:s23+$0xFFFFFFF0] =	vst v3;
	v3 =	vld [tilespmem:s23+$0x0]  }
0xc8: {  	v4 =	vld [tilespmem:s24+$0x0];
	_ =	sdelay $0x4  }
0xc9: {  	v3 =	vadd.f32 v4, v3;
	_ =	sdelay $0x1  }
0xca: {  	[tilespmem:s23+$0x0] =	vst v3;
	v3 =	vld [tilespmem:s23+$0x10]  }
0xcb: {  	v4 =	vld [tilespmem:s24+$0x10];
	_ =	sdelay $0x4  }
0xcc: {  	v3 =	vadd.f32 v4, v3;
	_ =	sdelay $0x1  }
0xcd: {  	[tilespmem:s23+$0x10] =	vst v3;
	v3 =	vld [tilespmem:s23+$0x20]  }
0xce: {  	v4 =	vld [tilespmem:s24+$0x20];
	_ =	sdelay $0x4  }
0xcf: {  	v3 =	vadd.f32 v4, v3;
	_ =	sdelay $0x1  }
0xd0: {  	[tilespmem:s23+$0x20] =	vst v3;
	v3 =	vld [tilespmem:s23+$0x30]  }
0xd1: {  	v4 =	vld [tilespmem:s24+$0x30];
	_ =	sdelay $0x4  }
0xd2: {  	v3 =	vadd.f32 v4, v3  }
0xd3: {  	s25 =	simm.s32 $0x0;
	s26 =	sadd.s32 $0x400, s23  }
.LBB2_3:
0xd4: {  	v4 =	vld [tilespmem:s26+$0xFFFFFFC0];
	[tilespmem:s23+$0x30] =	vst v3;
	s24 =	sadd.s32 $0x400, s24;
	s23 =	smov.u32 s26  }
0xd5: {  	s25 =	sadd.s32 $0x8, s25;
	v3 =	vld [tilespmem:s24+$0xFFFFFFC0]  }
0xd6: {  	p0 =	slt.u32 s25, $0x28;
	_ =	sdelay $0x3  }
0xd7: {  	v3 =	vadd.f32 v3, v4;
	_ =	sdelay $0x1  }
0xd8: {  	[tilespmem:s26+$0xFFFFFFC0] =	vst v3;
	v3 =	vld [tilespmem:s26+$0xFFFFFFD0]  }
0xd9: {  	v4 =	vld [tilespmem:s24+$0xFFFFFFD0];
	_ =	sdelay $0x4  }
0xda: {  	v3 =	vadd.f32 v4, v3;
	_ =	sdelay $0x1  }
0xdb: {  	[tilespmem:s26+$0xFFFFFFD0] =	vst v3;
	v3 =	vld [tilespmem:s26+$0xFFFFFFE0]  }
0xdc: {  	v4 =	vld [tilespmem:s24+$0xFFFFFFE0];
	_ =	sdelay $0x4  }
0xdd: {  	v3 =	vadd.f32 v4, v3;
	_ =	sdelay $0x1  }
0xde: {  	[tilespmem:s26+$0xFFFFFFE0] =	vst v3;
	v3 =	vld [tilespmem:s26+$0xFFFFFFF0]  }
0xdf: {  	v4 =	vld [tilespmem:s24+$0xFFFFFFF0];
	_ =	sdelay $0x4  }
0xe0: {  	v3 =	vadd.f32 v4, v3;
	_ =	sdelay $0x1  }
0xe1: {  	[tilespmem:s26+$0xFFFFFFF0] =	vst v3;
	v3 =	vld [tilespmem:s26+$0x0]  }
0xe2: {  	v4 =	vld [tilespmem:s24+$0x0];
	_ =	sdelay $0x4  }
0xe3: {  	v3 =	vadd.f32 v4, v3;
	_ =	sdelay $0x1  }
0xe4: {  	[tilespmem:s26+$0x0] =	vst v3;
	v3 =	vld [tilespmem:s26+$0x10]  }
0xe5: {  	v4 =	vld [tilespmem:s24+$0x10];
	_ =	sdelay $0x4  }
0xe6: {  	v3 =	vadd.f32 v4, v3;
	_ =	sdelay $0x1  }
0xe7: {  	[tilespmem:s26+$0x10] =	vst v3;
	v3 =	vld [tilespmem:s26+$0x20]  }
0xe8: {  	v4 =	vld [tilespmem:s24+$0x20];
	_ =	sdelay $0x4  }
0xe9: {  	v3 =	vadd.f32 v4, v3;
	_ =	sdelay $0x1  }
0xea: {  	[tilespmem:s26+$0x20] =	vst v3;
	v3 =	vld [tilespmem:s26+$0x30]  }
0xeb: {  	v4 =	vld [tilespmem:s24+$0x30];
	_ =	sdelay $0x1  }
.Ltmp0:
0xec: {  	(pc) =	sbr.rel @p0 .LBB2_3-.Ltmp0, $3  }
0xed: {  	_ =	sdelay $0x1  }
0xee: {  	v3 =	vadd.f32 v4, v3  }
0xef: {  	s26 =	sadd.s32 $0x400, s26  }
0xf0: {  	s22 =	sadd.s32 $0x1, s22  }
0xf1: {  	p0 =	sne.s32 s22, $0x40  }
.Ltmp1:
0xf2: {  	_ = 	snop;
	(pc) =	sbr.rel @p0 .LBB2_2-.Ltmp1, $2  }
0xf3: {  	_ =	sdelay $0x2  }
0xf4: {  	[tilespmem:s23+$0x30] =	vst v3;
	s21 =	sadd.s32 $0x1, s21  }
0xf5: {  	s20 =	sadd.s32 $0x1, s20  }
0xf6: {  	p0 =	sne.s32 s20, s9  }
.Ltmp2:
0xf7: {  	_ = 	snop;
	(pc) =	sbr.rel @p0 .LBB2_1-.Ltmp2, $4  }
0xf8: {  	[hbm4b:s8+s2] =	stream.linear.scatter [tilespmem:s12], [sflag:$0x3], $0xC000, $0x38;
	[tilespmem:$0x18100] =	vst v63  }
0xf9: {  	_ =	swait.ge [sflag:s10], $0xC000  }
0xfa: {  	[sflag:s10] =	ssyncset.done $0x0  }
0xfb: {  	[sflag:s10] =	ssyncadd.s32 $0xFFFF4000  }
0xfc: {  	_ =	sfence.sel $0x180000  }
0xfd: {  	[bflag:$0x0] =	sbarrier.arrive $0xFFFF  }
0xfe: {  	_ =	strace $0x9000004A  }
0xff: {  	s0 =	stileid.u32;
	[bflag:$0x2] =	sbarrier.arrive $0xFFFF  }
0x100: {  	p0 =	sne.s32 s0, $0x0;
	s0 =	rddreg [dreg:$0x2]  }
0x101: {  	s0 =	sadd.s32 @!p0 $0x100000, s0  }
0x102: {  	[sflag:s0] =	ssyncadd.tile.s32 @!p0 $0x1;
	_ =	shalt  }
.Lfunc_end2:
_tile_overlayer_lowered:
.L_overlay_start_2:
0x103: {  	(tag) =	ssettag $0x2  }
0x104: {  	s0 =	rddreg [dreg:$0x0];
	s2 =	stileid.u32  }
0x105: {  	s1 =	rddreg [dreg:$0x1];
	p0 =	sne.s32 s2, $0x0  }
0x106: {  	s3 =	rddreg [dreg:$0x2];
	[bflag:$0x3] =	sbarrier.arrive $0xFFFF;
	s2 =	simm.s32 @!p0 $0x1C03  }
0x107: {  	[timem:s3], [sflag:s2] =	dma.local @!p0 [hbm:s0], s1  }
0x108: {  	s0 =	simm.s32 @!p0 $0x3  }
0x109: {  	_ =	swait.ge @!p0 [sflag:s0], s1  }
0x10a: {  	s1 =	ssub.s32 @!p0 $0x0, s1;
	[sflag:s0] =	ssyncset.done @!p0 $0x0  }
0x10b: {  	[sflag:s0] =	ssyncadd.s32 @!p0 s1  }
0x10c: {  	[bflag:$0x3] =	sbarrier.arrive $0xFFFF  }
0x10d: {  	_ =	shalt  }

</sc_bundles>
